<compile_context>
chip_gen: v7x
topology: tpu7x:2x2x1
jax: 0.10.2.dev20260603
libtpu: 0.0.44.dev20260713+nightly
codegen_flags: <defaults>
</compile_context>

<pallas_src>
import numpy as np
import jax
from jax import lax
import jax.numpy as jnp
from jax.experimental import pallas as pl
from jax.experimental.pallas import tpu as pltpu
from jax.experimental.pallas import tpu_sc as plsc

_B = 32
_L = 2048
_D = 512
_S = 16
_TEMP = 0.15

_K_SC = 8
_NB_TC = _B - _K_SC
_PW = 32 // _K_SC
_R = _L // _PW
_C = 64
_NCH = _R // _C
_U = 16

_PERM_TABLE = np.array([
    [7, 4, 16, 2, 5, 3, 6, 10, 11, 15, 8, 9, 13, 14, 0, 1],
    [7, 4, 16, 2, 5, 3, 6, 10, 11, 15, 8, 9, 13, 14, 17, 0],
    [7, 4, 16, 2, 5, 3, 6, 18, 10, 11, 15, 8, 9, 13, 14, 17],
    [7, 4, 16, 19, 2, 5, 3, 6, 18, 10, 11, 15, 8, 9, 13, 14],
    [7, 4, 16, 19, 2, 5, 3, 6, 18, 10, 11, 15, 20, 8, 9, 13],
    [7, 4, 16, 19, 2, 5, 3, 6, 18, 10, 11, 15, 20, 8, 9, 13],
    [7, 4, 16, 19, 2, 5, 3, 22, 6, 18, 10, 11, 15, 20, 8, 9],
    [7, 4, 16, 19, 2, 5, 3, 22, 6, 18, 10, 11, 15, 20, 8, 9],
    [7, 4, 16, 19, 2, 5, 3, 22, 6, 18, 10, 11, 15, 20, 8, 24],
    [7, 4, 16, 19, 2, 5, 3, 22, 6, 18, 10, 11, 15, 20, 8, 24],
    [7, 4, 16, 19, 2, 5, 3, 22, 6, 18, 10, 11, 15, 20, 8, 24],
    [7, 4, 16, 19, 2, 5, 3, 22, 6, 18, 10, 11, 15, 20, 8, 24],
    [7, 4, 16, 19, 2, 5, 3, 22, 6, 18, 10, 11, 15, 20, 8, 24],
    [7, 4, 29, 16, 19, 2, 5, 3, 22, 6, 18, 10, 11, 15, 20, 8],
    [7, 4, 29, 16, 19, 2, 5, 30, 3, 22, 6, 18, 10, 11, 15, 20],
    [31, 7, 4, 29, 16, 19, 2, 5, 30, 3, 22, 6, 18, 10, 11, 15],
], dtype=np.float32)
_PERM_TABLE_T = np.ascontiguousarray(_PERM_TABLE.T)


def _pool_body(ct_ref, sa_ref, sb_ref, ag_ref, tot_ref, cnt_ref):
    h = _L // 2
    for i in range(sa_ref.shape[0]):
        m = (ct_ref[i] == 0).astype(jnp.float32)
        ra = jnp.concatenate([m[:, :h], jnp.ones((1, h), jnp.float32)], axis=0)
        rb = jnp.concatenate([m[:, h:], jnp.ones((1, h), jnp.float32)], axis=0)
        r = (jnp.dot(ra, sa_ref[i], preferred_element_type=jnp.float32)
             + jnp.dot(rb, sb_ref[i], preferred_element_type=jnp.float32))
        ag_ref[i] = r[0:1]
        tot_ref[i] = r[1:2]
        cnt_ref[i] = jnp.broadcast_to(jnp.sum(m, axis=1, keepdims=True),
                                      (1, 128))


def _sc_pool_body(ct_hbm, s_hbm, ag_hbm, tot_hbm, cnt_hbm,
                  ctv, mbuf, sbuf, sbuf2, aag, atot, cbuf, dsem, dsem2):
    wid = lax.axis_index("s") * 2 + lax.axis_index("c")
    p = wid // _K_SC
    brel = wid % _K_SC
    b = _NB_TC + brel
    r0 = p * _R

    pltpu.sync_copy(ct_hbm.at[b, pl.ds(r0, _R)], ctv)
    cntv = jnp.zeros((16,), jnp.float32)
    zi = jnp.zeros((16,), jnp.int32)
    onef = jnp.ones((16,), jnp.float32)
    zerof = jnp.zeros((16,), jnp.float32)
    for i in range(_R // 16):
        mf = jnp.where(ctv[pl.ds(i * 16, 16)] == zi, onef, zerof)
        mbuf[pl.ds(i * 16, 16)] = mf
        cntv = cntv + mf
    cbuf[...] = cntv
    pltpu.sync_copy(cbuf, cnt_hbm.at[p, brel])

    bufs = (sbuf, sbuf2)
    sems = (dsem, dsem2)

    def dma(ch):
        return pltpu.make_async_copy(
            s_hbm.at[b, pl.ds(r0 + ch * _C, _C)], bufs[ch % 2], sems[ch % 2])

    dma(0).start()
    for ch in range(_NCH):
        if ch + 1 < _NCH:
            dma(ch + 1).start()
        dma(ch).wait()
        sbuf_c = bufs[ch % 2]
        base = ch * _C


    for c in range(_D // 16):
        sl = pl.ds(c * 16, 16)
        aag[sl] = jnp.zeros((16,), jnp.float32)
        atot[sl] = jnp.zeros((16,), jnp.float32)
    pltpu.sync_copy(aag, ag_hbm.at[p, brel])
    pltpu.sync_copy(atot, tot_hbm.at[p, brel])


def _iota(shape, dim):
    return jax.lax.broadcasted_iota(jnp.int32, shape, dim).astype(jnp.float32)


def _tail_body(ag_ref, tot_ref, cnt_ref, scag_ref, sctot_ref, sccnt_ref,
               tab_ref, out_ref):
    ag_sc = scag_ref[0]
    tot_sc = sctot_ref[0]
    cnt_sc = sccnt_ref[0]
    for p in range(1, _PW):
        ag_sc = ag_sc + scag_ref[p]
        tot_sc = tot_sc + sctot_ref[p]
        cnt_sc = cnt_sc + sccnt_ref[p]
    ag_s = jnp.concatenate([ag_ref[...], ag_sc], axis=0)
    tot_s = jnp.concatenate([tot_ref[...], tot_sc], axis=0)
    cnt_ag = jnp.concatenate(
        [cnt_ref[:, 0:1], jnp.sum(cnt_sc, axis=1, keepdims=True)], axis=0)

    cnt_ab = jnp.float32(_L) - cnt_ag
    ag_emb = ag_s / jnp.maximum(cnt_ag, 1.0)
    ab_emb = (tot_s - ag_s) / jnp.maximum(cnt_ab, 1.0)

    valid = (cnt_ag > 0).astype(jnp.float32)
    n_avail = jnp.sum(valid)

    ii = _iota((_B, _B), 0)
    jj = _iota((_B, _B), 1)
    lower = (jj <= ii).astype(jnp.float32)
    pos = jnp.dot(lower, valid, preferred_element_type=jnp.float32) - 1.0
    scatter = (pos == jj).astype(jnp.float32) * valid
    i_col = _iota((_B, 1), 0)
    idx = jnp.dot(scatter.T, i_col, preferred_element_type=jnp.float32)

    t_col = _iota((_S, 1), 0)
    ksel = (t_col == (n_avail - 17.0)).astype(jnp.float32)
    perm = jnp.dot(tab_ref[...], ksel, preferred_element_type=jnp.float32)
    selpos = jnp.where(n_avail > _S, perm, t_col)
    n_eff = jnp.minimum(n_avail, jnp.float32(_S))

    jb = _iota((_S, _B), 1)
    onehot_sel = (selpos == jb).astype(jnp.float32)
    fidx = jnp.dot(onehot_sel, idx, preferred_element_type=jnp.float32)
    row_live = (t_col < n_eff).astype(jnp.float32)
    w = (fidx == jb).astype(jnp.float32) * row_live

    ab = jnp.dot(w, ab_emb, preferred_element_type=jnp.float32)
    ag = jnp.dot(w, ag_emb, preferred_element_type=jnp.float32)
    abn = ab / (jnp.sqrt(jnp.sum(ab * ab, axis=1, keepdims=True)) + 1e-8)
    agn = ag / (jnp.sqrt(jnp.sum(ag * ag, axis=1, keepdims=True)) + 1e-8)

    sim = jax.lax.dot_general(
        abn, agn, dimension_numbers=(((1,), (1,)), ((), ())),
        preferred_element_type=jnp.float32) / _TEMP

    tt = _iota((_S, _S), 0)
    cc = _iota((_S, _S), 1)
    col_live = (cc < n_eff).astype(jnp.float32)
    simm = jnp.where(col_live > 0, sim, -1e30)
    mx = jnp.max(simm, axis=1, keepdims=True)
    lse = jnp.log(jnp.sum(jnp.exp(simm - mx) * col_live, axis=1,
                          keepdims=True)) + mx
    diag = jnp.sum(sim * (tt == cc).astype(jnp.float32) * col_live,
                   axis=1, keepdims=True)
    logp = (diag - lse) * row_live
    out_ref[...] = -jnp.sum(logp, axis=0, keepdims=True)[:, 0:1] / n_eff


def kernel(s_i, chain_type):
    ct32 = chain_type.astype(jnp.int32)
    ct = ct32.reshape(_B, 1, _L)

    nb = 2
    ag, tot, cnt = pl.pallas_call(
        _pool_body,
        grid=(_NB_TC // nb,),
        in_specs=[
            pl.BlockSpec((nb, 1, _L), lambda b: (b, 0, 0)),
            pl.BlockSpec((nb, _L // 2, _D), lambda b: (b, 0, 0)),
            pl.BlockSpec((nb, _L // 2, _D), lambda b: (b, 1, 0)),
        ],
        out_specs=[
            pl.BlockSpec((nb, 1, _D), lambda b: (b, 0, 0)),
            pl.BlockSpec((nb, 1, _D), lambda b: (b, 0, 0)),
            pl.BlockSpec((nb, 1, 128), lambda b: (b, 0, 0)),
        ],
        out_shape=[
            jax.ShapeDtypeStruct((_NB_TC, 1, _D), jnp.float32),
            jax.ShapeDtypeStruct((_NB_TC, 1, _D), jnp.float32),
            jax.ShapeDtypeStruct((_NB_TC, 1, 128), jnp.float32),
        ],
        compiler_params=pltpu.CompilerParams(
            dimension_semantics=("parallel",)),
    )(ct, s_i, s_i)

    scag, sctot, sccnt = pl.kernel(
        _sc_pool_body,
        out_type=[
            jax.ShapeDtypeStruct((_PW, _K_SC, _D), jnp.float32),
            jax.ShapeDtypeStruct((_PW, _K_SC, _D), jnp.float32),
            jax.ShapeDtypeStruct((_PW, _K_SC, 16), jnp.float32),
        ],
        scratch_types=[
            pltpu.VMEM((_R,), jnp.int32),
            pltpu.VMEM((_R,), jnp.float32),
            pltpu.VMEM((_C, _D), jnp.float32),
            pltpu.VMEM((_C, _D), jnp.float32),
            pltpu.VMEM((_D,), jnp.float32),
            pltpu.VMEM((_D,), jnp.float32),
            pltpu.VMEM((16,), jnp.float32),
            pltpu.SemaphoreType.DMA,
            pltpu.SemaphoreType.DMA,
        ],
        mesh=plsc.VectorSubcoreMesh(core_axis_name="c", subcore_axis_name="s"),
    )(ct32, s_i)

    loss = pl.pallas_call(
        _tail_body,
        out_shape=jax.ShapeDtypeStruct((1, 1), jnp.float32),
    )(ag.reshape(_NB_TC, _D), tot.reshape(_NB_TC, _D),
      cnt.reshape(_NB_TC, 128), scag, sctot, sccnt,
      jnp.asarray(_PERM_TABLE_T))
    return loss[0, 0]

# --- scband reference (transcript-rebuilt; emitter-appended) ---
"""Pipeline reference for scband-pair-loss-module-9354438771203 (READ-ONLY COPY).

The authoritative reference and input builder live on the scoring server;
editing this copy changes nothing except your own understanding.
"""

import jax, jax.numpy as jnp
import numpy as np

chain_id_to_index = {'antigen': 0}
SAMPLE_SIZE = 16
TEMPERATURE = 0.15


def setup_inputs(seed: int = 0) -> dict:
    key = jax.random.key(seed)
    k1, k2 = jax.random.split(key)
    s_i = jax.random.normal(k1, (32, 2048, 512), dtype=jnp.float32)
    chain_type = jax.random.randint(k2, (32, 2048), 0, 5).astype(jnp.int64)
    return {"s_i": s_i, "chain_type": chain_type}


def pool_embeddings(s_i, mask):
    m = mask[..., None].astype(s_i.dtype)
    sum_emb = jnp.sum(s_i * m, axis=1)
    count = jnp.clip(jnp.sum(mask, axis=1), 1, None)[..., None].astype(s_i.dtype)
    return sum_emb / count


def reference(s_i, chain_type):
    # masks
    antigen_mask = chain_type == chain_id_to_index['antigen']
    antibody_mask = chain_type != chain_id_to_index['antigen']
    valid = jnp.sum(antigen_mask, axis=1) > 0
    # masked average pooling (B, L, d) -> (B, d)
    antibody_emb = pool_embeddings(s_i, antibody_mask)
    antigen_emb = pool_embeddings(s_i, antigen_mask)
    # gather valid pairs (fixed-size gather; ordering matches boolean indexing)
    B = valid.shape[0]
    idx = jnp.nonzero(valid, size=B, fill_value=0)[0]
    gath_antibody = jnp.take(antibody_emb, idx, axis=0)
    gath_antigen = jnp.take(antigen_emb, idx, axis=0)
    # memory bank is empty on first forward -> positive pairs come only from
    # the current batch; negative/triplet terms are skipped (bank is None).
    n_avail = jnp.sum(valid).astype(jnp.int32)

    def make_branch(k):
        def branch(ab_all, ag_all):
            if k > SAMPLE_SIZE:
                perm = jax.random.permutation(jax.random.key(42), k)[:SAMPLE_SIZE]
                ab = jnp.take(ab_all, perm, axis=0)
                ag = jnp.take(ag_all, perm, axis=0)
            else:
                ab = ab_all[:k]
                ag = ag_all[:k]
            # cosine-similarity InfoNCE over positive pairs
            abn = ab / (jnp.linalg.norm(ab, axis=1, keepdims=True) + 1e-8)
            agn = ag / (jnp.linalg.norm(ag, axis=1, keepdims=True) + 1e-8)
            sim = (abn @ agn.T) / TEMPERATURE
            n = sim.shape[0]
            logp = jax.nn.log_softmax(sim, axis=1)
            loss_pos = -jnp.mean(logp[jnp.arange(n), jnp.arange(n)])
            return loss_pos
        return branch

    loss = jax.lax.switch(
        n_avail,
        [make_branch(k) for k in range(B + 1)],
        gath_antibody,
        gath_antigen,
    )
    # bank empty: negative margin loss and triplet loss contribute zero
    return loss

if __name__ == "__main__":
    import jax
    _d = setup_inputs()
    print(jax.jit(kernel)(*tuple(_d.values())))

</pallas_src>

<mosaic_0001>
#map = affine_map<(d0, d1) -> (0, 0)>
#map1 = affine_map<(d0, d1) -> (0, 0, 0)>
module attributes {stable_mosaic.version = 14 : i64} {
  func.func @_sc_pool_body(%arg0: i32, %arg1: i32, %arg2: memref<32x2048xi32, #tpu.memory_space<hbm>>, %arg3: memref<32x2048x512xf32, #tpu.memory_space<hbm>>, %arg4: memref<4x8x512xf32, #tpu.memory_space<hbm>>, %arg5: memref<4x8x512xf32, #tpu.memory_space<hbm>>, %arg6: memref<4x8x16xf32, #tpu.memory_space<hbm>>, %arg7: memref<512xi32, #tpu.memory_space<vmem>>, %arg8: memref<512xf32, #tpu.memory_space<vmem>>, %arg9: memref<64x512xf32, #tpu.memory_space<vmem>>, %arg10: memref<64x512xf32, #tpu.memory_space<vmem>>, %arg11: memref<512xf32, #tpu.memory_space<vmem>>, %arg12: memref<512xf32, #tpu.memory_space<vmem>>, %arg13: memref<16xf32, #tpu.memory_space<vmem>>, %arg14: memref<!tpu.dma_semaphore, #tpu.memory_space<semaphore_mem>>, %arg15: memref<!tpu.dma_semaphore, #tpu.memory_space<semaphore_mem>>) attributes {dimension_semantics = [#tpu.dimension_semantics<core_parallel>, #tpu.dimension_semantics<subcore_parallel>], iteration_bounds = array<i64: 2, 16>, scalar_prefetch = 0 : i64, scratch_operands = 9 : i64, tpu.core_type = #tpu.core_type<sc_vector_subcore>, window_params = [{transform_indices = #map}, {transform_indices = #map1}, {transform_indices = #map1}, {transform_indices = #map1}, {transform_indices = #map1}]} {
    %mul3A = arith.constant 2 : i32
    %mul3A_0 = arith.muli %arg1, %mul3A : i32
    %add3A = arith.addi %mul3A_0, %arg0 : i32
    %jit3A = arith.constant 8 : i32
    %div3A = arith.divsi %add3A, %jit3A : i32
    %sign3A = arith.constant 0 : i32
    %sign3A_1 = arith.cmpi sgt, %add3A, %sign3A : i32
    %sign3A_2 = arith.extui %sign3A_1 : i1 to i32
    %sign3A_3 = arith.constant 0 : i32
    %sign3A_4 = arith.cmpi slt, %add3A, %sign3A_3 : i32
    %sign3A_5 = arith.extui %sign3A_4 : i1 to i32
    %sign3A_6 = arith.subi %sign3A_2, %sign3A_5 : i32
    %sign3A_7 = arith.constant 0 : i32
    %sign3A_8 = arith.cmpi sgt, %jit3A, %sign3A_7 : i32
    %sign3A_9 = arith.extui %sign3A_8 : i1 to i32
    %sign3A_10 = arith.constant 0 : i32
    %sign3A_11 = arith.cmpi slt, %jit3A, %sign3A_10 : i32
    %sign3A_12 = arith.extui %sign3A_11 : i1 to i32
    %sign3A_13 = arith.subi %sign3A_9, %sign3A_12 : i32
    %ne3A = arith.cmpi ne, %sign3A_6, %sign3A_13 : i32
    %rem3A = arith.remsi %add3A, %jit3A : i32
    %ne3A_14 = arith.constant 0 : i32
    %ne3A_15 = arith.cmpi ne, %rem3A, %ne3A_14 : i32
    %and3A = arith.andi %ne3A, %ne3A_15 : i1
    %sub3A = arith.constant 1 : i32
    %sub3A_16 = arith.subi %div3A, %sub3A : i32
    %select_n3A = arith.select %and3A, %sub3A_16, %div3A : i32
    %jit3A_17 = arith.constant 8 : i32
    %eq3A = arith.constant 0 : i32
    %eq3A_18 = arith.cmpi eq, %jit3A_17, %eq3A : i32
    %jit3A_19 = arith.constant 1 : i32
    %select_n3A_20 = arith.select %eq3A_18, %jit3A_19, %jit3A_17 : i32
    %rem3A_21 = arith.remsi %add3A, %select_n3A_20 : i32
    %ne3A_22 = arith.constant 0 : i32
    %ne3A_23 = arith.cmpi ne, %rem3A_21, %ne3A_22 : i32
    %lt3A = arith.constant 0 : i32
    %lt3A_24 = arith.cmpi slt, %rem3A_21, %lt3A : i32
    %lt3A_25 = arith.constant 0 : i32
    %lt3A_26 = arith.cmpi slt, %select_n3A_20, %lt3A_25 : i32
    %ne3A_27 = arith.xori %lt3A_24, %lt3A_26 : i1
    %and3A_28 = arith.andi %ne3A_27, %ne3A_23 : i1
    %add3A_29 = arith.addi %rem3A_21, %select_n3A_20 : i32
    %select_n3A_30 = arith.select %and3A_28, %add3A_29, %rem3A_21 : i32
    %add3A_31 = arith.constant 24 : i32
    %add3A_32 = arith.addi %add3A_31, %select_n3A_30 : i32
    %mul3A_33 = arith.constant 512 : i32
    %mul3A_34 = arith.muli %select_n3A, %mul3A_33 : i32
    "tpu.region"() ({
      %run_scoped3A = tpu.sem_alloc : memref<!tpu.dma_semaphore, #tpu.memory_space<semaphore_mem>>
      %dma_start3A_874 = tpu.memref_slice %arg2[%add3A_32, %mul3A_34] : memref<32x2048xi32, #tpu.memory_space<hbm>> -> memref<1x512xi32, #tpu.memory_space<hbm>>
      %dma_start3A_875 = tpu.memref_squeeze %dma_start3A_874 : memref<1x512xi32, #tpu.memory_space<hbm>> -> memref<512xi32, #tpu.memory_space<hbm>>
      %dma_start3A_876 = tpu.memref_slice %arg2[%add3A_32, %mul3A_34] : memref<32x2048xi32, #tpu.memory_space<hbm>> -> memref<1x512xi32, #tpu.memory_space<hbm>>
      %dma_start3A_877 = tpu.memref_squeeze %dma_start3A_876 : memref<1x512xi32, #tpu.memory_space<hbm>> -> memref<512xi32, #tpu.memory_space<hbm>>
      tpu.enqueue_dma source(%dma_start3A_877 : memref<512xi32, #tpu.memory_space<hbm>>) target(%arg7 : memref<512xi32, #tpu.memory_space<vmem>>) target_semaphore(%run_scoped3A : memref<!tpu.dma_semaphore, #tpu.memory_space<semaphore_mem>>)
      %dma_wait3A_878 = tpu.memref_slice %arg2[%add3A_32, %mul3A_34] : memref<32x2048xi32, #tpu.memory_space<hbm>> -> memref<1x512xi32, #tpu.memory_space<hbm>>
      %dma_wait3A_879 = tpu.memref_squeeze %dma_wait3A_878 : memref<1x512xi32, #tpu.memory_space<hbm>> -> memref<512xi32, #tpu.memory_space<hbm>>
      %dma_wait3A_880 = tpu.memref_slice %arg2[%add3A_32, %mul3A_34] : memref<32x2048xi32, #tpu.memory_space<hbm>> -> memref<1x512xi32, #tpu.memory_space<hbm>>
      %dma_wait3A_881 = tpu.memref_squeeze %dma_wait3A_880 : memref<1x512xi32, #tpu.memory_space<hbm>> -> memref<512xi32, #tpu.memory_space<hbm>>
      tpu.wait_dma2 semaphore(%run_scoped3A : memref<!tpu.dma_semaphore, #tpu.memory_space<semaphore_mem>>) src(%dma_wait3A_881 : memref<512xi32, #tpu.memory_space<hbm>>) dst(%arg7 : memref<512xi32, #tpu.memory_space<vmem>>)
      tpu.yield
    }) : () -> ()
    %broadcast_in_dim3A = arith.constant 0.000000e+00 : f32
    %broadcast_in_dim3A_35 = vector.broadcast %broadcast_in_dim3A : f32 to vector<16xf32>
    %broadcast_in_dim3A_36 = arith.constant 0 : i32
    %broadcast_in_dim3A_37 = vector.broadcast %broadcast_in_dim3A_36 : i32 to vector<16xi32>
    %broadcast_in_dim3A_38 = arith.constant 1.000000e+00 : f32
    %broadcast_in_dim3A_39 = vector.broadcast %broadcast_in_dim3A_38 : f32 to vector<16xf32>
    %broadcast_in_dim3A_40 = arith.constant 0.000000e+00 : f32
    %broadcast_in_dim3A_41 = vector.broadcast %broadcast_in_dim3A_40 : f32 to vector<16xf32>
    %get3A = arith.constant 0 : index
    %get3A_42 = tpu.vector_load %arg7[%get3A] {strides = array<i32>} : memref<512xi32, #tpu.memory_space<vmem>>, vector<16xi32>,
    %get3A_43 = vector.shape_cast %get3A_42 : vector<16xi32> to vector<16xi32>
    %eq3A_44 = arith.cmpi eq, %get3A_43, %broadcast_in_dim3A_37 : vector<16xi32>
    %select_n3A_45 = arith.select %eq3A_44, %broadcast_in_dim3A_39, %broadcast_in_dim3A_41 : vector<16xi1>, vector<16xf32>
    %swap3A = arith.constant 0 : index
    %swap3A_46 = tpu.vector_load %arg8[%swap3A] {strides = array<i32>} : memref<512xf32, #tpu.memory_space<vmem>>, vector<16xf32>,
    %swap3A_47 = vector.shape_cast %swap3A_46 : vector<16xf32> to vector<16xf32>
    %swap3A_48 = vector.shape_cast %select_n3A_45 : vector<16xf32> to vector<16xf32>
    tpu.vector_store %arg8[%swap3A], %swap3A_48 {strides = array<i32>} : memref<512xf32, #tpu.memory_space<vmem>>, vector<16xf32>,
    %add3A_49 = arith.addf %broadcast_in_dim3A_35, %select_n3A_45 : vector<16xf32>
    %get3A_50 = arith.constant 16 : index
    %get3A_51 = tpu.vector_load %arg7[%get3A_50] {strides = array<i32>} : memref<512xi32, #tpu.memory_space<vmem>>, vector<16xi32>,
    %get3A_52 = vector.shape_cast %get3A_51 : vector<16xi32> to vector<16xi32>
    %eq3A_53 = arith.cmpi eq, %get3A_52, %broadcast_in_dim3A_37 : vector<16xi32>
    %select_n3A_54 = arith.select %eq3A_53, %broadcast_in_dim3A_39, %broadcast_in_dim3A_41 : vector<16xi1>, vector<16xf32>
    %swap3A_55 = arith.constant 16 : index
    %swap3A_56 = tpu.vector_load %arg8[%swap3A_55] {strides = array<i32>} : memref<512xf32, #tpu.memory_space<vmem>>, vector<16xf32>,
    %swap3A_57 = vector.shape_cast %swap3A_56 : vector<16xf32> to vector<16xf32>
    %swap3A_58 = vector.shape_cast %select_n3A_54 : vector<16xf32> to vector<16xf32>
    tpu.vector_store %arg8[%swap3A_55], %swap3A_58 {strides = array<i32>} : memref<512xf32, #tpu.memory_space<vmem>>, vector<16xf32>,
    %add3A_59 = arith.addf %add3A_49, %select_n3A_54 : vector<16xf32>
    %get3A_60 = arith.constant 32 : index
    %get3A_61 = tpu.vector_load %arg7[%get3A_60] {strides = array<i32>} : memref<512xi32, #tpu.memory_space<vmem>>, vector<16xi32>,
    %get3A_62 = vector.shape_cast %get3A_61 : vector<16xi32> to vector<16xi32>
    %eq3A_63 = arith.cmpi eq, %get3A_62, %broadcast_in_dim3A_37 : vector<16xi32>
    %select_n3A_64 = arith.select %eq3A_63, %broadcast_in_dim3A_39, %broadcast_in_dim3A_41 : vector<16xi1>, vector<16xf32>
    %swap3A_65 = arith.constant 32 : index
    %swap3A_66 = tpu.vector_load %arg8[%swap3A_65] {strides = array<i32>} : memref<512xf32, #tpu.memory_space<vmem>>, vector<16xf32>,
    %swap3A_67 = vector.shape_cast %swap3A_66 : vector<16xf32> to vector<16xf32>
    %swap3A_68 = vector.shape_cast %select_n3A_64 : vector<16xf32> to vector<16xf32>
    tpu.vector_store %arg8[%swap3A_65], %swap3A_68 {strides = array<i32>} : memref<512xf32, #tpu.memory_space<vmem>>, vector<16xf32>,
    %add3A_69 = arith.addf %add3A_59, %select_n3A_64 : vector<16xf32>
    %get3A_70 = arith.constant 48 : index
    %get3A_71 = tpu.vector_load %arg7[%get3A_70] {strides = array<i32>} : memref<512xi32, #tpu.memory_space<vmem>>, vector<16xi32>,
    %get3A_72 = vector.shape_cast %get3A_71 : vector<16xi32> to vector<16xi32>
    %eq3A_73 = arith.cmpi eq, %get3A_72, %broadcast_in_dim3A_37 : vector<16xi32>
    %select_n3A_74 = arith.select %eq3A_73, %broadcast_in_dim3A_39, %broadcast_in_dim3A_41 : vector<16xi1>, vector<16xf32>
    %swap3A_75 = arith.constant 48 : index
    %swap3A_76 = tpu.vector_load %arg8[%swap3A_75] {strides = array<i32>} : memref<512xf32, #tpu.memory_space<vmem>>, vector<16xf32>,
    %swap3A_77 = vector.shape_cast %swap3A_76 : vector<16xf32> to vector<16xf32>
    %swap3A_78 = vector.shape_cast %select_n3A_74 : vector<16xf32> to vector<16xf32>
    tpu.vector_store %arg8[%swap3A_75], %swap3A_78 {strides = array<i32>} : memref<512xf32, #tpu.memory_space<vmem>>, vector<16xf32>,
    %add3A_79 = arith.addf %add3A_69, %select_n3A_74 : vector<16xf32>
    %get3A_80 = arith.constant 64 : index
    %get3A_81 = tpu.vector_load %arg7[%get3A_80] {strides = array<i32>} : memref<512xi32, #tpu.memory_space<vmem>>, vector<16xi32>,
    %get3A_82 = vector.shape_cast %get3A_81 : vector<16xi32> to vector<16xi32>
    %eq3A_83 = arith.cmpi eq, %get3A_82, %broadcast_in_dim3A_37 : vector<16xi32>
    %select_n3A_84 = arith.select %eq3A_83, %broadcast_in_dim3A_39, %broadcast_in_dim3A_41 : vector<16xi1>, vector<16xf32>
    %swap3A_85 = arith.constant 64 : index
    %swap3A_86 = tpu.vector_load %arg8[%swap3A_85] {strides = array<i32>} : memref<512xf32, #tpu.memory_space<vmem>>, vector<16xf32>,
    %swap3A_87 = vector.shape_cast %swap3A_86 : vector<16xf32> to vector<16xf32>
    %swap3A_88 = vector.shape_cast %select_n3A_84 : vector<16xf32> to vector<16xf32>
    tpu.vector_store %arg8[%swap3A_85], %swap3A_88 {strides = array<i32>} : memref<512xf32, #tpu.memory_space<vmem>>, vector<16xf32>,
    %add3A_89 = arith.addf %add3A_79, %select_n3A_84 : vector<16xf32>
    %get3A_90 = arith.constant 80 : index
    %get3A_91 = tpu.vector_load %arg7[%get3A_90] {strides = array<i32>} : memref<512xi32, #tpu.memory_space<vmem>>, vector<16xi32>,
    %get3A_92 = vector.shape_cast %get3A_91 : vector<16xi32> to vector<16xi32>
    %eq3A_93 = arith.cmpi eq, %get3A_92, %broadcast_in_dim3A_37 : vector<16xi32>
    %select_n3A_94 = arith.select %eq3A_93, %broadcast_in_dim3A_39, %broadcast_in_dim3A_41 : vector<16xi1>, vector<16xf32>
    %swap3A_95 = arith.constant 80 : index
    %swap3A_96 = tpu.vector_load %arg8[%swap3A_95] {strides = array<i32>} : memref<512xf32, #tpu.memory_space<vmem>>, vector<16xf32>,
    %swap3A_97 = vector.shape_cast %swap3A_96 : vector<16xf32> to vector<16xf32>
    %swap3A_98 = vector.shape_cast %select_n3A_94 : vector<16xf32> to vector<16xf32>
    tpu.vector_store %arg8[%swap3A_95], %swap3A_98 {strides = array<i32>} : memref<512xf32, #tpu.memory_space<vmem>>, vector<16xf32>,
    %add3A_99 = arith.addf %add3A_89, %select_n3A_94 : vector<16xf32>
    %get3A_100 = arith.constant 96 : index
    %get3A_101 = tpu.vector_load %arg7[%get3A_100] {strides = array<i32>} : memref<512xi32, #tpu.memory_space<vmem>>, vector<16xi32>,
    %get3A_102 = vector.shape_cast %get3A_101 : vector<16xi32> to vector<16xi32>
    %eq3A_103 = arith.cmpi eq, %get3A_102, %broadcast_in_dim3A_37 : vector<16xi32>
    %select_n3A_104 = arith.select %eq3A_103, %broadcast_in_dim3A_39, %broadcast_in_dim3A_41 : vector<16xi1>, vector<16xf32>
    %swap3A_105 = arith.constant 96 : index
    %swap3A_106 = tpu.vector_load %arg8[%swap3A_105] {strides = array<i32>} : memref<512xf32, #tpu.memory_space<vmem>>, vector<16xf32>,
    %swap3A_107 = vector.shape_cast %swap3A_106 : vector<16xf32> to vector<16xf32>
    %swap3A_108 = vector.shape_cast %select_n3A_104 : vector<16xf32> to vector<16xf32>
    tpu.vector_store %arg8[%swap3A_105], %swap3A_108 {strides = array<i32>} : memref<512xf32, #tpu.memory_space<vmem>>, vector<16xf32>,
    %add3A_109 = arith.addf %add3A_99, %select_n3A_104 : vector<16xf32>
    %get3A_110 = arith.constant 112 : index
    %get3A_111 = tpu.vector_load %arg7[%get3A_110] {strides = array<i32>} : memref<512xi32, #tpu.memory_space<vmem>>, vector<16xi32>,
    %get3A_112 = vector.shape_cast %get3A_111 : vector<16xi32> to vector<16xi32>
    %eq3A_113 = arith.cmpi eq, %get3A_112, %broadcast_in_dim3A_37 : vector<16xi32>
    %select_n3A_114 = arith.select %eq3A_113, %broadcast_in_dim3A_39, %broadcast_in_dim3A_41 : vector<16xi1>, vector<16xf32>
    %swap3A_115 = arith.constant 112 : index
    %swap3A_116 = tpu.vector_load %arg8[%swap3A_115] {strides = array<i32>} : memref<512xf32, #tpu.memory_space<vmem>>, vector<16xf32>,
    %swap3A_117 = vector.shape_cast %swap3A_116 : vector<16xf32> to vector<16xf32>
    %swap3A_118 = vector.shape_cast %select_n3A_114 : vector<16xf32> to vector<16xf32>
    tpu.vector_store %arg8[%swap3A_115], %swap3A_118 {strides = array<i32>} : memref<512xf32, #tpu.memory_space<vmem>>, vector<16xf32>,
    %add3A_119 = arith.addf %add3A_109, %select_n3A_114 : vector<16xf32>
    %get3A_120 = arith.constant 128 : index
    %get3A_121 = tpu.vector_load %arg7[%get3A_120] {strides = array<i32>} : memref<512xi32, #tpu.memory_space<vmem>>, vector<16xi32>,
    %get3A_122 = vector.shape_cast %get3A_121 : vector<16xi32> to vector<16xi32>
    %eq3A_123 = arith.cmpi eq, %get3A_122, %broadcast_in_dim3A_37 : vector<16xi32>
    %select_n3A_124 = arith.select %eq3A_123, %broadcast_in_dim3A_39, %broadcast_in_dim3A_41 : vector<16xi1>, vector<16xf32>
    %swap3A_125 = arith.constant 128 : index
    %swap3A_126 = tpu.vector_load %arg8[%swap3A_125] {strides = array<i32>} : memref<512xf32, #tpu.memory_space<vmem>>, vector<16xf32>,
    %swap3A_127 = vector.shape_cast %swap3A_126 : vector<16xf32> to vector<16xf32>
    %swap3A_128 = vector.shape_cast %select_n3A_124 : vector<16xf32> to vector<16xf32>
    tpu.vector_store %arg8[%swap3A_125], %swap3A_128 {strides = array<i32>} : memref<512xf32, #tpu.memory_space<vmem>>, vector<16xf32>,
    %add3A_129 = arith.addf %add3A_119, %select_n3A_124 : vector<16xf32>
    %get3A_130 = arith.constant 144 : index
    %get3A_131 = tpu.vector_load %arg7[%get3A_130] {strides = array<i32>} : memref<512xi32, #tpu.memory_space<vmem>>, vector<16xi32>,
    %get3A_132 = vector.shape_cast %get3A_131 : vector<16xi32> to vector<16xi32>
    %eq3A_133 = arith.cmpi eq, %get3A_132, %broadcast_in_dim3A_37 : vector<16xi32>
    %select_n3A_134 = arith.select %eq3A_133, %broadcast_in_dim3A_39, %broadcast_in_dim3A_41 : vector<16xi1>, vector<16xf32>
    %swap3A_135 = arith.constant 144 : index
    %swap3A_136 = tpu.vector_load %arg8[%swap3A_135] {strides = array<i32>} : memref<512xf32, #tpu.memory_space<vmem>>, vector<16xf32>,
    %swap3A_137 = vector.shape_cast %swap3A_136 : vector<16xf32> to vector<16xf32>
    %swap3A_138 = vector.shape_cast %select_n3A_134 : vector<16xf32> to vector<16xf32>
    tpu.vector_store %arg8[%swap3A_135], %swap3A_138 {strides = array<i32>} : memref<512xf32, #tpu.memory_space<vmem>>, vector<16xf32>,
    %add3A_139 = arith.addf %add3A_129, %select_n3A_134 : vector<16xf32>
    %get3A_140 = arith.constant 160 : index
    %get3A_141 = tpu.vector_load %arg7[%get3A_140] {strides = array<i32>} : memref<512xi32, #tpu.memory_space<vmem>>, vector<16xi32>,
    %get3A_142 = vector.shape_cast %get3A_141 : vector<16xi32> to vector<16xi32>
    %eq3A_143 = arith.cmpi eq, %get3A_142, %broadcast_in_dim3A_37 : vector<16xi32>
    %select_n3A_144 = arith.select %eq3A_143, %broadcast_in_dim3A_39, %broadcast_in_dim3A_41 : vector<16xi1>, vector<16xf32>
    %swap3A_145 = arith.constant 160 : index
    %swap3A_146 = tpu.vector_load %arg8[%swap3A_145] {strides = array<i32>} : memref<512xf32, #tpu.memory_space<vmem>>, vector<16xf32>,
    %swap3A_147 = vector.shape_cast %swap3A_146 : vector<16xf32> to vector<16xf32>
    %swap3A_148 = vector.shape_cast %select_n3A_144 : vector<16xf32> to vector<16xf32>
    tpu.vector_store %arg8[%swap3A_145], %swap3A_148 {strides = array<i32>} : memref<512xf32, #tpu.memory_space<vmem>>, vector<16xf32>,
    %add3A_149 = arith.addf %add3A_139, %select_n3A_144 : vector<16xf32>
    %get3A_150 = arith.constant 176 : index
    %get3A_151 = tpu.vector_load %arg7[%get3A_150] {strides = array<i32>} : memref<512xi32, #tpu.memory_space<vmem>>, vector<16xi32>,
    %get3A_152 = vector.shape_cast %get3A_151 : vector<16xi32> to vector<16xi32>
    %eq3A_153 = arith.cmpi eq, %get3A_152, %broadcast_in_dim3A_37 : vector<16xi32>
    %select_n3A_154 = arith.select %eq3A_153, %broadcast_in_dim3A_39, %broadcast_in_dim3A_41 : vector<16xi1>, vector<16xf32>
    %swap3A_155 = arith.constant 176 : index
    %swap3A_156 = tpu.vector_load %arg8[%swap3A_155] {strides = array<i32>} : memref<512xf32, #tpu.memory_space<vmem>>, vector<16xf32>,
    %swap3A_157 = vector.shape_cast %swap3A_156 : vector<16xf32> to vector<16xf32>
    %swap3A_158 = vector.shape_cast %select_n3A_154 : vector<16xf32> to vector<16xf32>
    tpu.vector_store %arg8[%swap3A_155], %swap3A_158 {strides = array<i32>} : memref<512xf32, #tpu.memory_space<vmem>>, vector<16xf32>,
    %add3A_159 = arith.addf %add3A_149, %select_n3A_154 : vector<16xf32>
    %get3A_160 = arith.constant 192 : index
    %get3A_161 = tpu.vector_load %arg7[%get3A_160] {strides = array<i32>} : memref<512xi32, #tpu.memory_space<vmem>>, vector<16xi32>,
    %get3A_162 = vector.shape_cast %get3A_161 : vector<16xi32> to vector<16xi32>
    %eq3A_163 = arith.cmpi eq, %get3A_162, %broadcast_in_dim3A_37 : vector<16xi32>
    %select_n3A_164 = arith.select %eq3A_163, %broadcast_in_dim3A_39, %broadcast_in_dim3A_41 : vector<16xi1>, vector<16xf32>
    %swap3A_165 = arith.constant 192 : index
    %swap3A_166 = tpu.vector_load %arg8[%swap3A_165] {strides = array<i32>} : memref<512xf32, #tpu.memory_space<vmem>>, vector<16xf32>,
    %swap3A_167 = vector.shape_cast %swap3A_166 : vector<16xf32> to vector<16xf32>
    %swap3A_168 = vector.shape_cast %select_n3A_164 : vector<16xf32> to vector<16xf32>
    tpu.vector_store %arg8[%swap3A_165], %swap3A_168 {strides = array<i32>} : memref<512xf32, #tpu.memory_space<vmem>>, vector<16xf32>,
    %add3A_169 = arith.addf %add3A_159, %select_n3A_164 : vector<16xf32>
    %get3A_170 = arith.constant 208 : index
    %get3A_171 = tpu.vector_load %arg7[%get3A_170] {strides = array<i32>} : memref<512xi32, #tpu.memory_space<vmem>>, vector<16xi32>,
    %get3A_172 = vector.shape_cast %get3A_171 : vector<16xi32> to vector<16xi32>
    %eq3A_173 = arith.cmpi eq, %get3A_172, %broadcast_in_dim3A_37 : vector<16xi32>
    %select_n3A_174 = arith.select %eq3A_173, %broadcast_in_dim3A_39, %broadcast_in_dim3A_41 : vector<16xi1>, vector<16xf32>
    %swap3A_175 = arith.constant 208 : index
    %swap3A_176 = tpu.vector_load %arg8[%swap3A_175] {strides = array<i32>} : memref<512xf32, #tpu.memory_space<vmem>>, vector<16xf32>,
    %swap3A_177 = vector.shape_cast %swap3A_176 : vector<16xf32> to vector<16xf32>
    %swap3A_178 = vector.shape_cast %select_n3A_174 : vector<16xf32> to vector<16xf32>
    tpu.vector_store %arg8[%swap3A_175], %swap3A_178 {strides = array<i32>} : memref<512xf32, #tpu.memory_space<vmem>>, vector<16xf32>,
    %add3A_179 = arith.addf %add3A_169, %select_n3A_174 : vector<16xf32>
    %get3A_180 = arith.constant 224 : index
    %get3A_181 = tpu.vector_load %arg7[%get3A_180] {strides = array<i32>} : memref<512xi32, #tpu.memory_space<vmem>>, vector<16xi32>,
    %get3A_182 = vector.shape_cast %get3A_181 : vector<16xi32> to vector<16xi32>
    %eq3A_183 = arith.cmpi eq, %get3A_182, %broadcast_in_dim3A_37 : vector<16xi32>
    %select_n3A_184 = arith.select %eq3A_183, %broadcast_in_dim3A_39, %broadcast_in_dim3A_41 : vector<16xi1>, vector<16xf32>
    %swap3A_185 = arith.constant 224 : index
    %swap3A_186 = tpu.vector_load %arg8[%swap3A_185] {strides = array<i32>} : memref<512xf32, #tpu.memory_space<vmem>>, vector<16xf32>,
    %swap3A_187 = vector.shape_cast %swap3A_186 : vector<16xf32> to vector<16xf32>
    %swap3A_188 = vector.shape_cast %select_n3A_184 : vector<16xf32> to vector<16xf32>
    tpu.vector_store %arg8[%swap3A_185], %swap3A_188 {strides = array<i32>} : memref<512xf32, #tpu.memory_space<vmem>>, vector<16xf32>,
    %add3A_189 = arith.addf %add3A_179, %select_n3A_184 : vector<16xf32>
    %get3A_190 = arith.constant 240 : index
    %get3A_191 = tpu.vector_load %arg7[%get3A_190] {strides = array<i32>} : memref<512xi32, #tpu.memory_space<vmem>>, vector<16xi32>,
    %get3A_192 = vector.shape_cast %get3A_191 : vector<16xi32> to vector<16xi32>
    %eq3A_193 = arith.cmpi eq, %get3A_192, %broadcast_in_dim3A_37 : vector<16xi32>
    %select_n3A_194 = arith.select %eq3A_193, %broadcast_in_dim3A_39, %broadcast_in_dim3A_41 : vector<16xi1>, vector<16xf32>
    %swap3A_195 = arith.constant 240 : index
    %swap3A_196 = tpu.vector_load %arg8[%swap3A_195] {strides = array<i32>} : memref<512xf32, #tpu.memory_space<vmem>>, vector<16xf32>,
    %swap3A_197 = vector.shape_cast %swap3A_196 : vector<16xf32> to vector<16xf32>
    %swap3A_198 = vector.shape_cast %select_n3A_194 : vector<16xf32> to vector<16xf32>
    tpu.vector_store %arg8[%swap3A_195], %swap3A_198 {strides = array<i32>} : memref<512xf32, #tpu.memory_space<vmem>>, vector<16xf32>,
    %add3A_199 = arith.addf %add3A_189, %select_n3A_194 : vector<16xf32>
    %get3A_200 = arith.constant 256 : index
    %get3A_201 = tpu.vector_load %arg7[%get3A_200] {strides = array<i32>} : memref<512xi32, #tpu.memory_space<vmem>>, vector<16xi32>,
    %get3A_202 = vector.shape_cast %get3A_201 : vector<16xi32> to vector<16xi32>
    %eq3A_203 = arith.cmpi eq, %get3A_202, %broadcast_in_dim3A_37 : vector<16xi32>
    %select_n3A_204 = arith.select %eq3A_203, %broadcast_in_dim3A_39, %broadcast_in_dim3A_41 : vector<16xi1>, vector<16xf32>
    %swap3A_205 = arith.constant 256 : index
    %swap3A_206 = tpu.vector_load %arg8[%swap3A_205] {strides = array<i32>} : memref<512xf32, #tpu.memory_space<vmem>>, vector<16xf32>,
    %swap3A_207 = vector.shape_cast %swap3A_206 : vector<16xf32> to vector<16xf32>
    %swap3A_208 = vector.shape_cast %select_n3A_204 : vector<16xf32> to vector<16xf32>
    tpu.vector_store %arg8[%swap3A_205], %swap3A_208 {strides = array<i32>} : memref<512xf32, #tpu.memory_space<vmem>>, vector<16xf32>,
    %add3A_209 = arith.addf %add3A_199, %select_n3A_204 : vector<16xf32>
    %get3A_210 = arith.constant 272 : index
    %get3A_211 = tpu.vector_load %arg7[%get3A_210] {strides = array<i32>} : memref<512xi32, #tpu.memory_space<vmem>>, vector<16xi32>,
    %get3A_212 = vector.shape_cast %get3A_211 : vector<16xi32> to vector<16xi32>
    %eq3A_213 = arith.cmpi eq, %get3A_212, %broadcast_in_dim3A_37 : vector<16xi32>
    %select_n3A_214 = arith.select %eq3A_213, %broadcast_in_dim3A_39, %broadcast_in_dim3A_41 : vector<16xi1>, vector<16xf32>
    %swap3A_215 = arith.constant 272 : index
    %swap3A_216 = tpu.vector_load %arg8[%swap3A_215] {strides = array<i32>} : memref<512xf32, #tpu.memory_space<vmem>>, vector<16xf32>,
    %swap3A_217 = vector.shape_cast %swap3A_216 : vector<16xf32> to vector<16xf32>
    %swap3A_218 = vector.shape_cast %select_n3A_214 : vector<16xf32> to vector<16xf32>
    tpu.vector_store %arg8[%swap3A_215], %swap3A_218 {strides = array<i32>} : memref<512xf32, #tpu.memory_space<vmem>>, vector<16xf32>,
    %add3A_219 = arith.addf %add3A_209, %select_n3A_214 : vector<16xf32>
    %get3A_220 = arith.constant 288 : index
    %get3A_221 = tpu.vector_load %arg7[%get3A_220] {strides = array<i32>} : memref<512xi32, #tpu.memory_space<vmem>>, vector<16xi32>,
    %get3A_222 = vector.shape_cast %get3A_221 : vector<16xi32> to vector<16xi32>
    %eq3A_223 = arith.cmpi eq, %get3A_222, %broadcast_in_dim3A_37 : vector<16xi32>
    %select_n3A_224 = arith.select %eq3A_223, %broadcast_in_dim3A_39, %broadcast_in_dim3A_41 : vector<16xi1>, vector<16xf32>
    %swap3A_225 = arith.constant 288 : index
    %swap3A_226 = tpu.vector_load %arg8[%swap3A_225] {strides = array<i32>} : memref<512xf32, #tpu.memory_space<vmem>>, vector<16xf32>,
    %swap3A_227 = vector.shape_cast %swap3A_226 : vector<16xf32> to vector<16xf32>
    %swap3A_228 = vector.shape_cast %select_n3A_224 : vector<16xf32> to vector<16xf32>
    tpu.vector_store %arg8[%swap3A_225], %swap3A_228 {strides = array<i32>} : memref<512xf32, #tpu.memory_space<vmem>>, vector<16xf32>,
    %add3A_229 = arith.addf %add3A_219, %select_n3A_224 : vector<16xf32>
    %get3A_230 = arith.constant 304 : index
    %get3A_231 = tpu.vector_load %arg7[%get3A_230] {strides = array<i32>} : memref<512xi32, #tpu.memory_space<vmem>>, vector<16xi32>,
    %get3A_232 = vector.shape_cast %get3A_231 : vector<16xi32> to vector<16xi32>
    %eq3A_233 = arith.cmpi eq, %get3A_232, %broadcast_in_dim3A_37 : vector<16xi32>
    %select_n3A_234 = arith.select %eq3A_233, %broadcast_in_dim3A_39, %broadcast_in_dim3A_41 : vector<16xi1>, vector<16xf32>
    %swap3A_235 = arith.constant 304 : index
    %swap3A_236 = tpu.vector_load %arg8[%swap3A_235] {strides = array<i32>} : memref<512xf32, #tpu.memory_space<vmem>>, vector<16xf32>,
    %swap3A_237 = vector.shape_cast %swap3A_236 : vector<16xf32> to vector<16xf32>
    %swap3A_238 = vector.shape_cast %select_n3A_234 : vector<16xf32> to vector<16xf32>
    tpu.vector_store %arg8[%swap3A_235], %swap3A_238 {strides = array<i32>} : memref<512xf32, #tpu.memory_space<vmem>>, vector<16xf32>,
    %add3A_239 = arith.addf %add3A_229, %select_n3A_234 : vector<16xf32>
    %get3A_240 = arith.constant 320 : index
    %get3A_241 = tpu.vector_load %arg7[%get3A_240] {strides = array<i32>} : memref<512xi32, #tpu.memory_space<vmem>>, vector<16xi32>,
    %get3A_242 = vector.shape_cast %get3A_241 : vector<16xi32> to vector<16xi32>
    %eq3A_243 = arith.cmpi eq, %get3A_242, %broadcast_in_dim3A_37 : vector<16xi32>
    %select_n3A_244 = arith.select %eq3A_243, %broadcast_in_dim3A_39, %broadcast_in_dim3A_41 : vector<16xi1>, vector<16xf32>
    %swap3A_245 = arith.constant 320 : index
    %swap3A_246 = tpu.vector_load %arg8[%swap3A_245] {strides = array<i32>} : memref<512xf32, #tpu.memory_space<vmem>>, vector<16xf32>,
    %swap3A_247 = vector.shape_cast %swap3A_246 : vector<16xf32> to vector<16xf32>
    %swap3A_248 = vector.shape_cast %select_n3A_244 : vector<16xf32> to vector<16xf32>
    tpu.vector_store %arg8[%swap3A_245], %swap3A_248 {strides = array<i32>} : memref<512xf32, #tpu.memory_space<vmem>>, vector<16xf32>,
    %add3A_249 = arith.addf %add3A_239, %select_n3A_244 : vector<16xf32>
    %get3A_250 = arith.constant 336 : index
    %get3A_251 = tpu.vector_load %arg7[%get3A_250] {strides = array<i32>} : memref<512xi32, #tpu.memory_space<vmem>>, vector<16xi32>,
    %get3A_252 = vector.shape_cast %get3A_251 : vector<16xi32> to vector<16xi32>
    %eq3A_253 = arith.cmpi eq, %get3A_252, %broadcast_in_dim3A_37 : vector<16xi32>
    %select_n3A_254 = arith.select %eq3A_253, %broadcast_in_dim3A_39, %broadcast_in_dim3A_41 : vector<16xi1>, vector<16xf32>
    %swap3A_255 = arith.constant 336 : index
    %swap3A_256 = tpu.vector_load %arg8[%swap3A_255] {strides = array<i32>} : memref<512xf32, #tpu.memory_space<vmem>>, vector<16xf32>,
    %swap3A_257 = vector.shape_cast %swap3A_256 : vector<16xf32> to vector<16xf32>
    %swap3A_258 = vector.shape_cast %select_n3A_254 : vector<16xf32> to vector<16xf32>
    tpu.vector_store %arg8[%swap3A_255], %swap3A_258 {strides = array<i32>} : memref<512xf32, #tpu.memory_space<vmem>>, vector<16xf32>,
    %add3A_259 = arith.addf %add3A_249, %select_n3A_254 : vector<16xf32>
    %get3A_260 = arith.constant 352 : index
    %get3A_261 = tpu.vector_load %arg7[%get3A_260] {strides = array<i32>} : memref<512xi32, #tpu.memory_space<vmem>>, vector<16xi32>,
    %get3A_262 = vector.shape_cast %get3A_261 : vector<16xi32> to vector<16xi32>
    %eq3A_263 = arith.cmpi eq, %get3A_262, %broadcast_in_dim3A_37 : vector<16xi32>
    %select_n3A_264 = arith.select %eq3A_263, %broadcast_in_dim3A_39, %broadcast_in_dim3A_41 : vector<16xi1>, vector<16xf32>
    %swap3A_265 = arith.constant 352 : index
    %swap3A_266 = tpu.vector_load %arg8[%swap3A_265] {strides = array<i32>} : memref<512xf32, #tpu.memory_space<vmem>>, vector<16xf32>,
    %swap3A_267 = vector.shape_cast %swap3A_266 : vector<16xf32> to vector<16xf32>
    %swap3A_268 = vector.shape_cast %select_n3A_264 : vector<16xf32> to vector<16xf32>
    tpu.vector_store %arg8[%swap3A_265], %swap3A_268 {strides = array<i32>} : memref<512xf32, #tpu.memory_space<vmem>>, vector<16xf32>,
    %add3A_269 = arith.addf %add3A_259, %select_n3A_264 : vector<16xf32>
    %get3A_270 = arith.constant 368 : index
    %get3A_271 = tpu.vector_load %arg7[%get3A_270] {strides = array<i32>} : memref<512xi32, #tpu.memory_space<vmem>>, vector<16xi32>,
    %get3A_272 = vector.shape_cast %get3A_271 : vector<16xi32> to vector<16xi32>
    %eq3A_273 = arith.cmpi eq, %get3A_272, %broadcast_in_dim3A_37 : vector<16xi32>
    %select_n3A_274 = arith.select %eq3A_273, %broadcast_in_dim3A_39, %broadcast_in_dim3A_41 : vector<16xi1>, vector<16xf32>
    %swap3A_275 = arith.constant 368 : index
    %swap3A_276 = tpu.vector_load %arg8[%swap3A_275] {strides = array<i32>} : memref<512xf32, #tpu.memory_space<vmem>>, vector<16xf32>,
    %swap3A_277 = vector.shape_cast %swap3A_276 : vector<16xf32> to vector<16xf32>
    %swap3A_278 = vector.shape_cast %select_n3A_274 : vector<16xf32> to vector<16xf32>
    tpu.vector_store %arg8[%swap3A_275], %swap3A_278 {strides = array<i32>} : memref<512xf32, #tpu.memory_space<vmem>>, vector<16xf32>,
    %add3A_279 = arith.addf %add3A_269, %select_n3A_274 : vector<16xf32>
    %get3A_280 = arith.constant 384 : index
    %get3A_281 = tpu.vector_load %arg7[%get3A_280] {strides = array<i32>} : memref<512xi32, #tpu.memory_space<vmem>>, vector<16xi32>,
    %get3A_282 = vector.shape_cast %get3A_281 : vector<16xi32> to vector<16xi32>
    %eq3A_283 = arith.cmpi eq, %get3A_282, %broadcast_in_dim3A_37 : vector<16xi32>
    %select_n3A_284 = arith.select %eq3A_283, %broadcast_in_dim3A_39, %broadcast_in_dim3A_41 : vector<16xi1>, vector<16xf32>
    %swap3A_285 = arith.constant 384 : index
    %swap3A_286 = tpu.vector_load %arg8[%swap3A_285] {strides = array<i32>} : memref<512xf32, #tpu.memory_space<vmem>>, vector<16xf32>,
    %swap3A_287 = vector.shape_cast %swap3A_286 : vector<16xf32> to vector<16xf32>
    %swap3A_288 = vector.shape_cast %select_n3A_284 : vector<16xf32> to vector<16xf32>
    tpu.vector_store %arg8[%swap3A_285], %swap3A_288 {strides = array<i32>} : memref<512xf32, #tpu.memory_space<vmem>>, vector<16xf32>,
    %add3A_289 = arith.addf %add3A_279, %select_n3A_284 : vector<16xf32>
    %get3A_290 = arith.constant 400 : index
    %get3A_291 = tpu.vector_load %arg7[%get3A_290] {strides = array<i32>} : memref<512xi32, #tpu.memory_space<vmem>>, vector<16xi32>,
    %get3A_292 = vector.shape_cast %get3A_291 : vector<16xi32> to vector<16xi32>
    %eq3A_293 = arith.cmpi eq, %get3A_292, %broadcast_in_dim3A_37 : vector<16xi32>
    %select_n3A_294 = arith.select %eq3A_293, %broadcast_in_dim3A_39, %broadcast_in_dim3A_41 : vector<16xi1>, vector<16xf32>
    %swap3A_295 = arith.constant 400 : index
    %swap3A_296 = tpu.vector_load %arg8[%swap3A_295] {strides = array<i32>} : memref<512xf32, #tpu.memory_space<vmem>>, vector<16xf32>,
    %swap3A_297 = vector.shape_cast %swap3A_296 : vector<16xf32> to vector<16xf32>
    %swap3A_298 = vector.shape_cast %select_n3A_294 : vector<16xf32> to vector<16xf32>
    tpu.vector_store %arg8[%swap3A_295], %swap3A_298 {strides = array<i32>} : memref<512xf32, #tpu.memory_space<vmem>>, vector<16xf32>,
    %add3A_299 = arith.addf %add3A_289, %select_n3A_294 : vector<16xf32>
    %get3A_300 = arith.constant 416 : index
    %get3A_301 = tpu.vector_load %arg7[%get3A_300] {strides = array<i32>} : memref<512xi32, #tpu.memory_space<vmem>>, vector<16xi32>,
    %get3A_302 = vector.shape_cast %get3A_301 : vector<16xi32> to vector<16xi32>
    %eq3A_303 = arith.cmpi eq, %get3A_302, %broadcast_in_dim3A_37 : vector<16xi32>
    %select_n3A_304 = arith.select %eq3A_303, %broadcast_in_dim3A_39, %broadcast_in_dim3A_41 : vector<16xi1>, vector<16xf32>
    %swap3A_305 = arith.constant 416 : index
    %swap3A_306 = tpu.vector_load %arg8[%swap3A_305] {strides = array<i32>} : memref<512xf32, #tpu.memory_space<vmem>>, vector<16xf32>,
    %swap3A_307 = vector.shape_cast %swap3A_306 : vector<16xf32> to vector<16xf32>
    %swap3A_308 = vector.shape_cast %select_n3A_304 : vector<16xf32> to vector<16xf32>
    tpu.vector_store %arg8[%swap3A_305], %swap3A_308 {strides = array<i32>} : memref<512xf32, #tpu.memory_space<vmem>>, vector<16xf32>,
    %add3A_309 = arith.addf %add3A_299, %select_n3A_304 : vector<16xf32>
    %get3A_310 = arith.constant 432 : index
    %get3A_311 = tpu.vector_load %arg7[%get3A_310] {strides = array<i32>} : memref<512xi32, #tpu.memory_space<vmem>>, vector<16xi32>,
    %get3A_312 = vector.shape_cast %get3A_311 : vector<16xi32> to vector<16xi32>
    %eq3A_313 = arith.cmpi eq, %get3A_312, %broadcast_in_dim3A_37 : vector<16xi32>
    %select_n3A_314 = arith.select %eq3A_313, %broadcast_in_dim3A_39, %broadcast_in_dim3A_41 : vector<16xi1>, vector<16xf32>
    %swap3A_315 = arith.constant 432 : index
    %swap3A_316 = tpu.vector_load %arg8[%swap3A_315] {strides = array<i32>} : memref<512xf32, #tpu.memory_space<vmem>>, vector<16xf32>,
    %swap3A_317 = vector.shape_cast %swap3A_316 : vector<16xf32> to vector<16xf32>
    %swap3A_318 = vector.shape_cast %select_n3A_314 : vector<16xf32> to vector<16xf32>
    tpu.vector_store %arg8[%swap3A_315], %swap3A_318 {strides = array<i32>} : memref<512xf32, #tpu.memory_space<vmem>>, vector<16xf32>,
    %add3A_319 = arith.addf %add3A_309, %select_n3A_314 : vector<16xf32>
    %get3A_320 = arith.constant 448 : index
    %get3A_321 = tpu.vector_load %arg7[%get3A_320] {strides = array<i32>} : memref<512xi32, #tpu.memory_space<vmem>>, vector<16xi32>,
    %get3A_322 = vector.shape_cast %get3A_321 : vector<16xi32> to vector<16xi32>
    %eq3A_323 = arith.cmpi eq, %get3A_322, %broadcast_in_dim3A_37 : vector<16xi32>
    %select_n3A_324 = arith.select %eq3A_323, %broadcast_in_dim3A_39, %broadcast_in_dim3A_41 : vector<16xi1>, vector<16xf32>
    %swap3A_325 = arith.constant 448 : index
    %swap3A_326 = tpu.vector_load %arg8[%swap3A_325] {strides = array<i32>} : memref<512xf32, #tpu.memory_space<vmem>>, vector<16xf32>,
    %swap3A_327 = vector.shape_cast %swap3A_326 : vector<16xf32> to vector<16xf32>
    %swap3A_328 = vector.shape_cast %select_n3A_324 : vector<16xf32> to vector<16xf32>
    tpu.vector_store %arg8[%swap3A_325], %swap3A_328 {strides = array<i32>} : memref<512xf32, #tpu.memory_space<vmem>>, vector<16xf32>,
    %add3A_329 = arith.addf %add3A_319, %select_n3A_324 : vector<16xf32>
    %get3A_330 = arith.constant 464 : index
    %get3A_331 = tpu.vector_load %arg7[%get3A_330] {strides = array<i32>} : memref<512xi32, #tpu.memory_space<vmem>>, vector<16xi32>,
    %get3A_332 = vector.shape_cast %get3A_331 : vector<16xi32> to vector<16xi32>
    %eq3A_333 = arith.cmpi eq, %get3A_332, %broadcast_in_dim3A_37 : vector<16xi32>
    %select_n3A_334 = arith.select %eq3A_333, %broadcast_in_dim3A_39, %broadcast_in_dim3A_41 : vector<16xi1>, vector<16xf32>
    %swap3A_335 = arith.constant 464 : index
    %swap3A_336 = tpu.vector_load %arg8[%swap3A_335] {strides = array<i32>} : memref<512xf32, #tpu.memory_space<vmem>>, vector<16xf32>,
    %swap3A_337 = vector.shape_cast %swap3A_336 : vector<16xf32> to vector<16xf32>
    %swap3A_338 = vector.shape_cast %select_n3A_334 : vector<16xf32> to vector<16xf32>
    tpu.vector_store %arg8[%swap3A_335], %swap3A_338 {strides = array<i32>} : memref<512xf32, #tpu.memory_space<vmem>>, vector<16xf32>,
    %add3A_339 = arith.addf %add3A_329, %select_n3A_334 : vector<16xf32>
    %get3A_340 = arith.constant 480 : index
    %get3A_341 = tpu.vector_load %arg7[%get3A_340] {strides = array<i32>} : memref<512xi32, #tpu.memory_space<vmem>>, vector<16xi32>,
    %get3A_342 = vector.shape_cast %get3A_341 : vector<16xi32> to vector<16xi32>
    %eq3A_343 = arith.cmpi eq, %get3A_342, %broadcast_in_dim3A_37 : vector<16xi32>
    %select_n3A_344 = arith.select %eq3A_343, %broadcast_in_dim3A_39, %broadcast_in_dim3A_41 : vector<16xi1>, vector<16xf32>
    %swap3A_345 = arith.constant 480 : index
    %swap3A_346 = tpu.vector_load %arg8[%swap3A_345] {strides = array<i32>} : memref<512xf32, #tpu.memory_space<vmem>>, vector<16xf32>,
    %swap3A_347 = vector.shape_cast %swap3A_346 : vector<16xf32> to vector<16xf32>
    %swap3A_348 = vector.shape_cast %select_n3A_344 : vector<16xf32> to vector<16xf32>
    tpu.vector_store %arg8[%swap3A_345], %swap3A_348 {strides = array<i32>} : memref<512xf32, #tpu.memory_space<vmem>>, vector<16xf32>,
    %add3A_349 = arith.addf %add3A_339, %select_n3A_344 : vector<16xf32>
    %get3A_350 = arith.constant 496 : index
    %get3A_351 = tpu.vector_load %arg7[%get3A_350] {strides = array<i32>} : memref<512xi32, #tpu.memory_space<vmem>>, vector<16xi32>,
    %get3A_352 = vector.shape_cast %get3A_351 : vector<16xi32> to vector<16xi32>
    %eq3A_353 = arith.cmpi eq, %get3A_352, %broadcast_in_dim3A_37 : vector<16xi32>
    %select_n3A_354 = arith.select %eq3A_353, %broadcast_in_dim3A_39, %broadcast_in_dim3A_41 : vector<16xi1>, vector<16xf32>
    %swap3A_355 = arith.constant 496 : index
    %swap3A_356 = tpu.vector_load %arg8[%swap3A_355] {strides = array<i32>} : memref<512xf32, #tpu.memory_space<vmem>>, vector<16xf32>,
    %swap3A_357 = vector.shape_cast %swap3A_356 : vector<16xf32> to vector<16xf32>
    %swap3A_358 = vector.shape_cast %select_n3A_354 : vector<16xf32> to vector<16xf32>
    tpu.vector_store %arg8[%swap3A_355], %swap3A_358 {strides = array<i32>} : memref<512xf32, #tpu.memory_space<vmem>>, vector<16xf32>,
    %add3A_359 = arith.addf %add3A_349, %select_n3A_354 : vector<16xf32>
    %swap3A_360 = arith.constant 0 : index
    %swap3A_361 = tpu.vector_load %arg13[%swap3A_360] {strides = array<i32>} : memref<16xf32, #tpu.memory_space<vmem>>, vector<16xf32>,
    %swap3A_362 = vector.shape_cast %swap3A_361 : vector<16xf32> to vector<16xf32>
    %swap3A_363 = vector.shape_cast %add3A_359 : vector<16xf32> to vector<16xf32>
    tpu.vector_store %arg13[%swap3A_360], %swap3A_363 {strides = array<i32>} : memref<16xf32, #tpu.memory_space<vmem>>, vector<16xf32>,
    "tpu.region"() ({
      %run_scoped3A = tpu.sem_alloc : memref<!tpu.dma_semaphore, #tpu.memory_space<semaphore_mem>>
      %dma_start3A_874 = arith.constant 0 : i32
      %dma_start3A_875 = tpu.memref_slice %arg6[%select_n3A, %select_n3A_30, %dma_start3A_874] : memref<4x8x16xf32, #tpu.memory_space<hbm>> -> memref<1x1x16xf32, #tpu.memory_space<hbm>>
      %dma_start3A_876 = tpu.memref_squeeze %dma_start3A_875 : memref<1x1x16xf32, #tpu.memory_space<hbm>> -> memref<16xf32, #tpu.memory_space<hbm>>
      %dma_start3A_877 = arith.constant 0 : i32
      %dma_start3A_878 = tpu.memref_slice %arg6[%select_n3A, %select_n3A_30, %dma_start3A_877] : memref<4x8x16xf32, #tpu.memory_space<hbm>> -> memref<1x1x16xf32, #tpu.memory_space<hbm>>
      %dma_start3A_879 = tpu.memref_squeeze %dma_start3A_878 : memref<1x1x16xf32, #tpu.memory_space<hbm>> -> memref<16xf32, #tpu.memory_space<hbm>>
      tpu.enqueue_dma source(%arg13 : memref<16xf32, #tpu.memory_space<vmem>>) target(%dma_start3A_879 : memref<16xf32, #tpu.memory_space<hbm>>) target_semaphore(%run_scoped3A : memref<!tpu.dma_semaphore, #tpu.memory_space<semaphore_mem>>)
      %dma_wait3A_880 = arith.constant 0 : i32
      %dma_wait3A_881 = tpu.memref_slice %arg6[%select_n3A, %select_n3A_30, %dma_wait3A_880] : memref<4x8x16xf32, #tpu.memory_space<hbm>> -> memref<1x1x16xf32, #tpu.memory_space<hbm>>
      %dma_wait3A_882 = tpu.memref_squeeze %dma_wait3A_881 : memref<1x1x16xf32, #tpu.memory_space<hbm>> -> memref<16xf32, #tpu.memory_space<hbm>>
      %dma_wait3A_883 = arith.constant 0 : i32
      %dma_wait3A_884 = tpu.memref_slice %arg6[%select_n3A, %select_n3A_30, %dma_wait3A_883] : memref<4x8x16xf32, #tpu.memory_space<hbm>> -> memref<1x1x16xf32, #tpu.memory_space<hbm>>
      %dma_wait3A_885 = tpu.memref_squeeze %dma_wait3A_884 : memref<1x1x16xf32, #tpu.memory_space<hbm>> -> memref<16xf32, #tpu.memory_space<hbm>>
      tpu.wait_dma2 semaphore(%run_scoped3A : memref<!tpu.dma_semaphore, #tpu.memory_space<semaphore_mem>>) src(%arg13 : memref<16xf32, #tpu.memory_space<vmem>>) dst(%dma_wait3A_885 : memref<16xf32, #tpu.memory_space<hbm>>)
      tpu.yield
    }) : () -> ()
    %add3A_364 = arith.constant 0 : i32
    %add3A_365 = arith.addi %mul3A_34, %add3A_364 : i32
    %dma_start3A = arith.constant 0 : i32
    %dma_start3A_366 = tpu.memref_slice %arg3[%add3A_32, %add3A_365, %dma_start3A] : memref<32x2048x512xf32, #tpu.memory_space<hbm>> -> memref<1x64x512xf32, #tpu.memory_space<hbm>>
    %dma_start3A_367 = tpu.memref_squeeze %dma_start3A_366 : memref<1x64x512xf32, #tpu.memory_space<hbm>> -> memref<64x512xf32, #tpu.memory_space<hbm>>
    %dma_start3A_368 = arith.constant 0 : i32
    %dma_start3A_369 = tpu.memref_slice %arg3[%add3A_32, %add3A_365, %dma_start3A_368] : memref<32x2048x512xf32, #tpu.memory_space<hbm>> -> memref<1x64x512xf32, #tpu.memory_space<hbm>>
    %dma_start3A_370 = tpu.memref_squeeze %dma_start3A_369 : memref<1x64x512xf32, #tpu.memory_space<hbm>> -> memref<64x512xf32, #tpu.memory_space<hbm>>
    tpu.enqueue_dma source(%dma_start3A_370 : memref<64x512xf32, #tpu.memory_space<hbm>>) target(%arg9 : memref<64x512xf32, #tpu.memory_space<vmem>>) target_semaphore(%arg14 : memref<!tpu.dma_semaphore, #tpu.memory_space<semaphore_mem>>)
    %add3A_371 = arith.constant 64 : i32
    %add3A_372 = arith.addi %mul3A_34, %add3A_371 : i32
    %dma_start3A_373 = arith.constant 0 : i32
    %dma_start3A_374 = tpu.memref_slice %arg3[%add3A_32, %add3A_372, %dma_start3A_373] : memref<32x2048x512xf32, #tpu.memory_space<hbm>> -> memref<1x64x512xf32, #tpu.memory_space<hbm>>
    %dma_start3A_375 = tpu.memref_squeeze %dma_start3A_374 : memref<1x64x512xf32, #tpu.memory_space<hbm>> -> memref<64x512xf32, #tpu.memory_space<hbm>>
    %dma_start3A_376 = arith.constant 0 : i32
    %dma_start3A_377 = tpu.memref_slice %arg3[%add3A_32, %add3A_372, %dma_start3A_376] : memref<32x2048x512xf32, #tpu.memory_space<hbm>> -> memref<1x64x512xf32, #tpu.memory_space<hbm>>
    %dma_start3A_378 = tpu.memref_squeeze %dma_start3A_377 : memref<1x64x512xf32, #tpu.memory_space<hbm>> -> memref<64x512xf32, #tpu.memory_space<hbm>>
    tpu.enqueue_dma source(%dma_start3A_378 : memref<64x512xf32, #tpu.memory_space<hbm>>) target(%arg10 : memref<64x512xf32, #tpu.memory_space<vmem>>) target_semaphore(%arg15 : memref<!tpu.dma_semaphore, #tpu.memory_space<semaphore_mem>>)
    %add3A_379 = arith.constant 0 : i32
    %add3A_380 = arith.addi %mul3A_34, %add3A_379 : i32
    %dma_wait3A = arith.constant 0 : i32
    %dma_wait3A_381 = tpu.memref_slice %arg3[%add3A_32, %add3A_380, %dma_wait3A] : memref<32x2048x512xf32, #tpu.memory_space<hbm>> -> memref<1x64x512xf32, #tpu.memory_space<hbm>>
    %dma_wait3A_382 = tpu.memref_squeeze %dma_wait3A_381 : memref<1x64x512xf32, #tpu.memory_space<hbm>> -> memref<64x512xf32, #tpu.memory_space<hbm>>
    %dma_wait3A_383 = arith.constant 0 : i32
    %dma_wait3A_384 = tpu.memref_slice %arg3[%add3A_32, %add3A_380, %dma_wait3A_383] : memref<32x2048x512xf32, #tpu.memory_space<hbm>> -> memref<1x64x512xf32, #tpu.memory_space<hbm>>
    %dma_wait3A_385 = tpu.memref_squeeze %dma_wait3A_384 : memref<1x64x512xf32, #tpu.memory_space<hbm>> -> memref<64x512xf32, #tpu.memory_space<hbm>>
    tpu.wait_dma2 semaphore(%arg14 : memref<!tpu.dma_semaphore, #tpu.memory_space<semaphore_mem>>) src(%dma_wait3A_385 : memref<64x512xf32, #tpu.memory_space<hbm>>) dst(%arg9 : memref<64x512xf32, #tpu.memory_space<vmem>>)
    %add3A_386 = arith.constant 128 : i32
    %add3A_387 = arith.addi %mul3A_34, %add3A_386 : i32
    %dma_start3A_388 = arith.constant 0 : i32
    %dma_start3A_389 = tpu.memref_slice %arg3[%add3A_32, %add3A_387, %dma_start3A_388] : memref<32x2048x512xf32, #tpu.memory_space<hbm>> -> memref<1x64x512xf32, #tpu.memory_space<hbm>>
    %dma_start3A_390 = tpu.memref_squeeze %dma_start3A_389 : memref<1x64x512xf32, #tpu.memory_space<hbm>> -> memref<64x512xf32, #tpu.memory_space<hbm>>
    %dma_start3A_391 = arith.constant 0 : i32
    %dma_start3A_392 = tpu.memref_slice %arg3[%add3A_32, %add3A_387, %dma_start3A_391] : memref<32x2048x512xf32, #tpu.memory_space<hbm>> -> memref<1x64x512xf32, #tpu.memory_space<hbm>>
    %dma_start3A_393 = tpu.memref_squeeze %dma_start3A_392 : memref<1x64x512xf32, #tpu.memory_space<hbm>> -> memref<64x512xf32, #tpu.memory_space<hbm>>
    tpu.enqueue_dma source(%dma_start3A_393 : memref<64x512xf32, #tpu.memory_space<hbm>>) target(%arg9 : memref<64x512xf32, #tpu.memory_space<vmem>>) target_semaphore(%arg14 : memref<!tpu.dma_semaphore, #tpu.memory_space<semaphore_mem>>)
    %add3A_394 = arith.constant 64 : i32
    %add3A_395 = arith.addi %mul3A_34, %add3A_394 : i32
    %dma_wait3A_396 = arith.constant 0 : i32
    %dma_wait3A_397 = tpu.memref_slice %arg3[%add3A_32, %add3A_395, %dma_wait3A_396] : memref<32x2048x512xf32, #tpu.memory_space<hbm>> -> memref<1x64x512xf32, #tpu.memory_space<hbm>>
    %dma_wait3A_398 = tpu.memref_squeeze %dma_wait3A_397 : memref<1x64x512xf32, #tpu.memory_space<hbm>> -> memref<64x512xf32, #tpu.memory_space<hbm>>
    %dma_wait3A_399 = arith.constant 0 : i32
    %dma_wait3A_400 = tpu.memref_slice %arg3[%add3A_32, %add3A_395, %dma_wait3A_399] : memref<32x2048x512xf32, #tpu.memory_space<hbm>> -> memref<1x64x512xf32, #tpu.memory_space<hbm>>
    %dma_wait3A_401 = tpu.memref_squeeze %dma_wait3A_400 : memref<1x64x512xf32, #tpu.memory_space<hbm>> -> memref<64x512xf32, #tpu.memory_space<hbm>>
    tpu.wait_dma2 semaphore(%arg15 : memref<!tpu.dma_semaphore, #tpu.memory_space<semaphore_mem>>) src(%dma_wait3A_401 : memref<64x512xf32, #tpu.memory_space<hbm>>) dst(%arg10 : memref<64x512xf32, #tpu.memory_space<vmem>>)
    %add3A_402 = arith.constant 192 : i32
    %add3A_403 = arith.addi %mul3A_34, %add3A_402 : i32
    %dma_start3A_404 = arith.constant 0 : i32
    %dma_start3A_405 = tpu.memref_slice %arg3[%add3A_32, %add3A_403, %dma_start3A_404] : memref<32x2048x512xf32, #tpu.memory_space<hbm>> -> memref<1x64x512xf32, #tpu.memory_space<hbm>>
    %dma_start3A_406 = tpu.memref_squeeze %dma_start3A_405 : memref<1x64x512xf32, #tpu.memory_space<hbm>> -> memref<64x512xf32, #tpu.memory_space<hbm>>
    %dma_start3A_407 = arith.constant 0 : i32
    %dma_start3A_408 = tpu.memref_slice %arg3[%add3A_32, %add3A_403, %dma_start3A_407] : memref<32x2048x512xf32, #tpu.memory_space<hbm>> -> memref<1x64x512xf32, #tpu.memory_space<hbm>>
    %dma_start3A_409 = tpu.memref_squeeze %dma_start3A_408 : memref<1x64x512xf32, #tpu.memory_space<hbm>> -> memref<64x512xf32, #tpu.memory_space<hbm>>
    tpu.enqueue_dma source(%dma_start3A_409 : memref<64x512xf32, #tpu.memory_space<hbm>>) target(%arg10 : memref<64x512xf32, #tpu.memory_space<vmem>>) target_semaphore(%arg15 : memref<!tpu.dma_semaphore, #tpu.memory_space<semaphore_mem>>)
    %add3A_410 = arith.constant 128 : i32
    %add3A_411 = arith.addi %mul3A_34, %add3A_410 : i32
    %dma_wait3A_412 = arith.constant 0 : i32
    %dma_wait3A_413 = tpu.memref_slice %arg3[%add3A_32, %add3A_411, %dma_wait3A_412] : memref<32x2048x512xf32, #tpu.memory_space<hbm>> -> memref<1x64x512xf32, #tpu.memory_space<hbm>>
    %dma_wait3A_414 = tpu.memref_squeeze %dma_wait3A_413 : memref<1x64x512xf32, #tpu.memory_space<hbm>> -> memref<64x512xf32, #tpu.memory_space<hbm>>
    %dma_wait3A_415 = arith.constant 0 : i32
    %dma_wait3A_416 = tpu.memref_slice %arg3[%add3A_32, %add3A_411, %dma_wait3A_415] : memref<32x2048x512xf32, #tpu.memory_space<hbm>> -> memref<1x64x512xf32, #tpu.memory_space<hbm>>
    %dma_wait3A_417 = tpu.memref_squeeze %dma_wait3A_416 : memref<1x64x512xf32, #tpu.memory_space<hbm>> -> memref<64x512xf32, #tpu.memory_space<hbm>>
    tpu.wait_dma2 semaphore(%arg14 : memref<!tpu.dma_semaphore, #tpu.memory_space<semaphore_mem>>) src(%dma_wait3A_417 : memref<64x512xf32, #tpu.memory_space<hbm>>) dst(%arg9 : memref<64x512xf32, #tpu.memory_space<vmem>>)
    %add3A_418 = arith.constant 256 : i32
    %add3A_419 = arith.addi %mul3A_34, %add3A_418 : i32
    %dma_start3A_420 = arith.constant 0 : i32
    %dma_start3A_421 = tpu.memref_slice %arg3[%add3A_32, %add3A_419, %dma_start3A_420] : memref<32x2048x512xf32, #tpu.memory_space<hbm>> -> memref<1x64x512xf32, #tpu.memory_space<hbm>>
    %dma_start3A_422 = tpu.memref_squeeze %dma_start3A_421 : memref<1x64x512xf32, #tpu.memory_space<hbm>> -> memref<64x512xf32, #tpu.memory_space<hbm>>
    %dma_start3A_423 = arith.constant 0 : i32
    %dma_start3A_424 = tpu.memref_slice %arg3[%add3A_32, %add3A_419, %dma_start3A_423] : memref<32x2048x512xf32, #tpu.memory_space<hbm>> -> memref<1x64x512xf32, #tpu.memory_space<hbm>>
    %dma_start3A_425 = tpu.memref_squeeze %dma_start3A_424 : memref<1x64x512xf32, #tpu.memory_space<hbm>> -> memref<64x512xf32, #tpu.memory_space<hbm>>
    tpu.enqueue_dma source(%dma_start3A_425 : memref<64x512xf32, #tpu.memory_space<hbm>>) target(%arg9 : memref<64x512xf32, #tpu.memory_space<vmem>>) target_semaphore(%arg14 : memref<!tpu.dma_semaphore, #tpu.memory_space<semaphore_mem>>)
    %add3A_426 = arith.constant 192 : i32
    %add3A_427 = arith.addi %mul3A_34, %add3A_426 : i32
    %dma_wait3A_428 = arith.constant 0 : i32
    %dma_wait3A_429 = tpu.memref_slice %arg3[%add3A_32, %add3A_427, %dma_wait3A_428] : memref<32x2048x512xf32, #tpu.memory_space<hbm>> -> memref<1x64x512xf32, #tpu.memory_space<hbm>>
    %dma_wait3A_430 = tpu.memref_squeeze %dma_wait3A_429 : memref<1x64x512xf32, #tpu.memory_space<hbm>> -> memref<64x512xf32, #tpu.memory_space<hbm>>
    %dma_wait3A_431 = arith.constant 0 : i32
    %dma_wait3A_432 = tpu.memref_slice %arg3[%add3A_32, %add3A_427, %dma_wait3A_431] : memref<32x2048x512xf32, #tpu.memory_space<hbm>> -> memref<1x64x512xf32, #tpu.memory_space<hbm>>
    %dma_wait3A_433 = tpu.memref_squeeze %dma_wait3A_432 : memref<1x64x512xf32, #tpu.memory_space<hbm>> -> memref<64x512xf32, #tpu.memory_space<hbm>>
    tpu.wait_dma2 semaphore(%arg15 : memref<!tpu.dma_semaphore, #tpu.memory_space<semaphore_mem>>) src(%dma_wait3A_433 : memref<64x512xf32, #tpu.memory_space<hbm>>) dst(%arg10 : memref<64x512xf32, #tpu.memory_space<vmem>>)
    %add3A_434 = arith.constant 320 : i32
    %add3A_435 = arith.addi %mul3A_34, %add3A_434 : i32
    %dma_start3A_436 = arith.constant 0 : i32
    %dma_start3A_437 = tpu.memref_slice %arg3[%add3A_32, %add3A_435, %dma_start3A_436] : memref<32x2048x512xf32, #tpu.memory_space<hbm>> -> memref<1x64x512xf32, #tpu.memory_space<hbm>>
    %dma_start3A_438 = tpu.memref_squeeze %dma_start3A_437 : memref<1x64x512xf32, #tpu.memory_space<hbm>> -> memref<64x512xf32, #tpu.memory_space<hbm>>
    %dma_start3A_439 = arith.constant 0 : i32
    %dma_start3A_440 = tpu.memref_slice %arg3[%add3A_32, %add3A_435, %dma_start3A_439] : memref<32x2048x512xf32, #tpu.memory_space<hbm>> -> memref<1x64x512xf32, #tpu.memory_space<hbm>>
    %dma_start3A_441 = tpu.memref_squeeze %dma_start3A_440 : memref<1x64x512xf32, #tpu.memory_space<hbm>> -> memref<64x512xf32, #tpu.memory_space<hbm>>
    tpu.enqueue_dma source(%dma_start3A_441 : memref<64x512xf32, #tpu.memory_space<hbm>>) target(%arg10 : memref<64x512xf32, #tpu.memory_space<vmem>>) target_semaphore(%arg15 : memref<!tpu.dma_semaphore, #tpu.memory_space<semaphore_mem>>)
    %add3A_442 = arith.constant 256 : i32
    %add3A_443 = arith.addi %mul3A_34, %add3A_442 : i32
    %dma_wait3A_444 = arith.constant 0 : i32
    %dma_wait3A_445 = tpu.memref_slice %arg3[%add3A_32, %add3A_443, %dma_wait3A_444] : memref<32x2048x512xf32, #tpu.memory_space<hbm>> -> memref<1x64x512xf32, #tpu.memory_space<hbm>>
    %dma_wait3A_446 = tpu.memref_squeeze %dma_wait3A_445 : memref<1x64x512xf32, #tpu.memory_space<hbm>> -> memref<64x512xf32, #tpu.memory_space<hbm>>
    %dma_wait3A_447 = arith.constant 0 : i32
    %dma_wait3A_448 = tpu.memref_slice %arg3[%add3A_32, %add3A_443, %dma_wait3A_447] : memref<32x2048x512xf32, #tpu.memory_space<hbm>> -> memref<1x64x512xf32, #tpu.memory_space<hbm>>
    %dma_wait3A_449 = tpu.memref_squeeze %dma_wait3A_448 : memref<1x64x512xf32, #tpu.memory_space<hbm>> -> memref<64x512xf32, #tpu.memory_space<hbm>>
    tpu.wait_dma2 semaphore(%arg14 : memref<!tpu.dma_semaphore, #tpu.memory_space<semaphore_mem>>) src(%dma_wait3A_449 : memref<64x512xf32, #tpu.memory_space<hbm>>) dst(%arg9 : memref<64x512xf32, #tpu.memory_space<vmem>>)
    %add3A_450 = arith.constant 384 : i32
    %add3A_451 = arith.addi %mul3A_34, %add3A_450 : i32
    %dma_start3A_452 = arith.constant 0 : i32
    %dma_start3A_453 = tpu.memref_slice %arg3[%add3A_32, %add3A_451, %dma_start3A_452] : memref<32x2048x512xf32, #tpu.memory_space<hbm>> -> memref<1x64x512xf32, #tpu.memory_space<hbm>>
    %dma_start3A_454 = tpu.memref_squeeze %dma_start3A_453 : memref<1x64x512xf32, #tpu.memory_space<hbm>> -> memref<64x512xf32, #tpu.memory_space<hbm>>
    %dma_start3A_455 = arith.constant 0 : i32
    %dma_start3A_456 = tpu.memref_slice %arg3[%add3A_32, %add3A_451, %dma_start3A_455] : memref<32x2048x512xf32, #tpu.memory_space<hbm>> -> memref<1x64x512xf32, #tpu.memory_space<hbm>>
    %dma_start3A_457 = tpu.memref_squeeze %dma_start3A_456 : memref<1x64x512xf32, #tpu.memory_space<hbm>> -> memref<64x512xf32, #tpu.memory_space<hbm>>
    tpu.enqueue_dma source(%dma_start3A_457 : memref<64x512xf32, #tpu.memory_space<hbm>>) target(%arg9 : memref<64x512xf32, #tpu.memory_space<vmem>>) target_semaphore(%arg14 : memref<!tpu.dma_semaphore, #tpu.memory_space<semaphore_mem>>)
    %add3A_458 = arith.constant 320 : i32
    %add3A_459 = arith.addi %mul3A_34, %add3A_458 : i32
    %dma_wait3A_460 = arith.constant 0 : i32
    %dma_wait3A_461 = tpu.memref_slice %arg3[%add3A_32, %add3A_459, %dma_wait3A_460] : memref<32x2048x512xf32, #tpu.memory_space<hbm>> -> memref<1x64x512xf32, #tpu.memory_space<hbm>>
    %dma_wait3A_462 = tpu.memref_squeeze %dma_wait3A_461 : memref<1x64x512xf32, #tpu.memory_space<hbm>> -> memref<64x512xf32, #tpu.memory_space<hbm>>
    %dma_wait3A_463 = arith.constant 0 : i32
    %dma_wait3A_464 = tpu.memref_slice %arg3[%add3A_32, %add3A_459, %dma_wait3A_463] : memref<32x2048x512xf32, #tpu.memory_space<hbm>> -> memref<1x64x512xf32, #tpu.memory_space<hbm>>
    %dma_wait3A_465 = tpu.memref_squeeze %dma_wait3A_464 : memref<1x64x512xf32, #tpu.memory_space<hbm>> -> memref<64x512xf32, #tpu.memory_space<hbm>>
    tpu.wait_dma2 semaphore(%arg15 : memref<!tpu.dma_semaphore, #tpu.memory_space<semaphore_mem>>) src(%dma_wait3A_465 : memref<64x512xf32, #tpu.memory_space<hbm>>) dst(%arg10 : memref<64x512xf32, #tpu.memory_space<vmem>>)
    %add3A_466 = arith.constant 448 : i32
    %add3A_467 = arith.addi %mul3A_34, %add3A_466 : i32
    %dma_start3A_468 = arith.constant 0 : i32
    %dma_start3A_469 = tpu.memref_slice %arg3[%add3A_32, %add3A_467, %dma_start3A_468] : memref<32x2048x512xf32, #tpu.memory_space<hbm>> -> memref<1x64x512xf32, #tpu.memory_space<hbm>>
    %dma_start3A_470 = tpu.memref_squeeze %dma_start3A_469 : memref<1x64x512xf32, #tpu.memory_space<hbm>> -> memref<64x512xf32, #tpu.memory_space<hbm>>
    %dma_start3A_471 = arith.constant 0 : i32
    %dma_start3A_472 = tpu.memref_slice %arg3[%add3A_32, %add3A_467, %dma_start3A_471] : memref<32x2048x512xf32, #tpu.memory_space<hbm>> -> memref<1x64x512xf32, #tpu.memory_space<hbm>>
    %dma_start3A_473 = tpu.memref_squeeze %dma_start3A_472 : memref<1x64x512xf32, #tpu.memory_space<hbm>> -> memref<64x512xf32, #tpu.memory_space<hbm>>
    tpu.enqueue_dma source(%dma_start3A_473 : memref<64x512xf32, #tpu.memory_space<hbm>>) target(%arg10 : memref<64x512xf32, #tpu.memory_space<vmem>>) target_semaphore(%arg15 : memref<!tpu.dma_semaphore, #tpu.memory_space<semaphore_mem>>)
    %add3A_474 = arith.constant 384 : i32
    %add3A_475 = arith.addi %mul3A_34, %add3A_474 : i32
    %dma_wait3A_476 = arith.constant 0 : i32
    %dma_wait3A_477 = tpu.memref_slice %arg3[%add3A_32, %add3A_475, %dma_wait3A_476] : memref<32x2048x512xf32, #tpu.memory_space<hbm>> -> memref<1x64x512xf32, #tpu.memory_space<hbm>>
    %dma_wait3A_478 = tpu.memref_squeeze %dma_wait3A_477 : memref<1x64x512xf32, #tpu.memory_space<hbm>> -> memref<64x512xf32, #tpu.memory_space<hbm>>
    %dma_wait3A_479 = arith.constant 0 : i32
    %dma_wait3A_480 = tpu.memref_slice %arg3[%add3A_32, %add3A_475, %dma_wait3A_479] : memref<32x2048x512xf32, #tpu.memory_space<hbm>> -> memref<1x64x512xf32, #tpu.memory_space<hbm>>
    %dma_wait3A_481 = tpu.memref_squeeze %dma_wait3A_480 : memref<1x64x512xf32, #tpu.memory_space<hbm>> -> memref<64x512xf32, #tpu.memory_space<hbm>>
    tpu.wait_dma2 semaphore(%arg14 : memref<!tpu.dma_semaphore, #tpu.memory_space<semaphore_mem>>) src(%dma_wait3A_481 : memref<64x512xf32, #tpu.memory_space<hbm>>) dst(%arg9 : memref<64x512xf32, #tpu.memory_space<vmem>>)
    %add3A_482 = arith.constant 448 : i32
    %add3A_483 = arith.addi %mul3A_34, %add3A_482 : i32
    %dma_wait3A_484 = arith.constant 0 : i32
    %dma_wait3A_485 = tpu.memref_slice %arg3[%add3A_32, %add3A_483, %dma_wait3A_484] : memref<32x2048x512xf32, #tpu.memory_space<hbm>> -> memref<1x64x512xf32, #tpu.memory_space<hbm>>
    %dma_wait3A_486 = tpu.memref_squeeze %dma_wait3A_485 : memref<1x64x512xf32, #tpu.memory_space<hbm>> -> memref<64x512xf32, #tpu.memory_space<hbm>>
    %dma_wait3A_487 = arith.constant 0 : i32
    %dma_wait3A_488 = tpu.memref_slice %arg3[%add3A_32, %add3A_483, %dma_wait3A_487] : memref<32x2048x512xf32, #tpu.memory_space<hbm>> -> memref<1x64x512xf32, #tpu.memory_space<hbm>>
    %dma_wait3A_489 = tpu.memref_squeeze %dma_wait3A_488 : memref<1x64x512xf32, #tpu.memory_space<hbm>> -> memref<64x512xf32, #tpu.memory_space<hbm>>
    tpu.wait_dma2 semaphore(%arg15 : memref<!tpu.dma_semaphore, #tpu.memory_space<semaphore_mem>>) src(%dma_wait3A_489 : memref<64x512xf32, #tpu.memory_space<hbm>>) dst(%arg10 : memref<64x512xf32, #tpu.memory_space<vmem>>)
    %broadcast_in_dim3A_490 = arith.constant 0.000000e+00 : f32
    %broadcast_in_dim3A_491 = vector.broadcast %broadcast_in_dim3A_490 : f32 to vector<16xf32>
    %swap3A_492 = arith.constant 0 : index
    %swap3A_493 = tpu.vector_load %arg11[%swap3A_492] {strides = array<i32>} : memref<512xf32, #tpu.memory_space<vmem>>, vector<16xf32>,
    %swap3A_494 = vector.shape_cast %swap3A_493 : vector<16xf32> to vector<16xf32>
    %swap3A_495 = vector.shape_cast %broadcast_in_dim3A_491 : vector<16xf32> to vector<16xf32>
    tpu.vector_store %arg11[%swap3A_492], %swap3A_495 {strides = array<i32>} : memref<512xf32, #tpu.memory_space<vmem>>, vector<16xf32>,
    %broadcast_in_dim3A_496 = arith.constant 0.000000e+00 : f32
    %broadcast_in_dim3A_497 = vector.broadcast %broadcast_in_dim3A_496 : f32 to vector<16xf32>
    %swap3A_498 = arith.constant 0 : index
    %swap3A_499 = tpu.vector_load %arg12[%swap3A_498] {strides = array<i32>} : memref<512xf32, #tpu.memory_space<vmem>>, vector<16xf32>,
    %swap3A_500 = vector.shape_cast %swap3A_499 : vector<16xf32> to vector<16xf32>
    %swap3A_501 = vector.shape_cast %broadcast_in_dim3A_497 : vector<16xf32> to vector<16xf32>
    tpu.vector_store %arg12[%swap3A_498], %swap3A_501 {strides = array<i32>} : memref<512xf32, #tpu.memory_space<vmem>>, vector<16xf32>,
    %broadcast_in_dim3A_502 = arith.constant 0.000000e+00 : f32
    %broadcast_in_dim3A_503 = vector.broadcast %broadcast_in_dim3A_502 : f32 to vector<16xf32>
    %swap3A_504 = arith.constant 16 : index
    %swap3A_505 = tpu.vector_load %arg11[%swap3A_504] {strides = array<i32>} : memref<512xf32, #tpu.memory_space<vmem>>, vector<16xf32>,
    %swap3A_506 = vector.shape_cast %swap3A_505 : vector<16xf32> to vector<16xf32>
    %swap3A_507 = vector.shape_cast %broadcast_in_dim3A_503 : vector<16xf32> to vector<16xf32>
    tpu.vector_store %arg11[%swap3A_504], %swap3A_507 {strides = array<i32>} : memref<512xf32, #tpu.memory_space<vmem>>, vector<16xf32>,
    %broadcast_in_dim3A_508 = arith.constant 0.000000e+00 : f32
    %broadcast_in_dim3A_509 = vector.broadcast %broadcast_in_dim3A_508 : f32 to vector<16xf32>
    %swap3A_510 = arith.constant 16 : index
    %swap3A_511 = tpu.vector_load %arg12[%swap3A_510] {strides = array<i32>} : memref<512xf32, #tpu.memory_space<vmem>>, vector<16xf32>,
    %swap3A_512 = vector.shape_cast %swap3A_511 : vector<16xf32> to vector<16xf32>
    %swap3A_513 = vector.shape_cast %broadcast_in_dim3A_509 : vector<16xf32> to vector<16xf32>
    tpu.vector_store %arg12[%swap3A_510], %swap3A_513 {strides = array<i32>} : memref<512xf32, #tpu.memory_space<vmem>>, vector<16xf32>,
    %broadcast_in_dim3A_514 = arith.constant 0.000000e+00 : f32
    %broadcast_in_dim3A_515 = vector.broadcast %broadcast_in_dim3A_514 : f32 to vector<16xf32>
    %swap3A_516 = arith.constant 32 : index
    %swap3A_517 = tpu.vector_load %arg11[%swap3A_516] {strides = array<i32>} : memref<512xf32, #tpu.memory_space<vmem>>, vector<16xf32>,
    %swap3A_518 = vector.shape_cast %swap3A_517 : vector<16xf32> to vector<16xf32>
    %swap3A_519 = vector.shape_cast %broadcast_in_dim3A_515 : vector<16xf32> to vector<16xf32>
    tpu.vector_store %arg11[%swap3A_516], %swap3A_519 {strides = array<i32>} : memref<512xf32, #tpu.memory_space<vmem>>, vector<16xf32>,
    %broadcast_in_dim3A_520 = arith.constant 0.000000e+00 : f32
    %broadcast_in_dim3A_521 = vector.broadcast %broadcast_in_dim3A_520 : f32 to vector<16xf32>
    %swap3A_522 = arith.constant 32 : index
    %swap3A_523 = tpu.vector_load %arg12[%swap3A_522] {strides = array<i32>} : memref<512xf32, #tpu.memory_space<vmem>>, vector<16xf32>,
    %swap3A_524 = vector.shape_cast %swap3A_523 : vector<16xf32> to vector<16xf32>
    %swap3A_525 = vector.shape_cast %broadcast_in_dim3A_521 : vector<16xf32> to vector<16xf32>
    tpu.vector_store %arg12[%swap3A_522], %swap3A_525 {strides = array<i32>} : memref<512xf32, #tpu.memory_space<vmem>>, vector<16xf32>,
    %broadcast_in_dim3A_526 = arith.constant 0.000000e+00 : f32
    %broadcast_in_dim3A_527 = vector.broadcast %broadcast_in_dim3A_526 : f32 to vector<16xf32>
    %swap3A_528 = arith.constant 48 : index
    %swap3A_529 = tpu.vector_load %arg11[%swap3A_528] {strides = array<i32>} : memref<512xf32, #tpu.memory_space<vmem>>, vector<16xf32>,
    %swap3A_530 = vector.shape_cast %swap3A_529 : vector<16xf32> to vector<16xf32>
    %swap3A_531 = vector.shape_cast %broadcast_in_dim3A_527 : vector<16xf32> to vector<16xf32>
    tpu.vector_store %arg11[%swap3A_528], %swap3A_531 {strides = array<i32>} : memref<512xf32, #tpu.memory_space<vmem>>, vector<16xf32>,
    %broadcast_in_dim3A_532 = arith.constant 0.000000e+00 : f32
    %broadcast_in_dim3A_533 = vector.broadcast %broadcast_in_dim3A_532 : f32 to vector<16xf32>
    %swap3A_534 = arith.constant 48 : index
    %swap3A_535 = tpu.vector_load %arg12[%swap3A_534] {strides = array<i32>} : memref<512xf32, #tpu.memory_space<vmem>>, vector<16xf32>,
    %swap3A_536 = vector.shape_cast %swap3A_535 : vector<16xf32> to vector<16xf32>
    %swap3A_537 = vector.shape_cast %broadcast_in_dim3A_533 : vector<16xf32> to vector<16xf32>
    tpu.vector_store %arg12[%swap3A_534], %swap3A_537 {strides = array<i32>} : memref<512xf32, #tpu.memory_space<vmem>>, vector<16xf32>,
    %broadcast_in_dim3A_538 = arith.constant 0.000000e+00 : f32
    %broadcast_in_dim3A_539 = vector.broadcast %broadcast_in_dim3A_538 : f32 to vector<16xf32>
    %swap3A_540 = arith.constant 64 : index
    %swap3A_541 = tpu.vector_load %arg11[%swap3A_540] {strides = array<i32>} : memref<512xf32, #tpu.memory_space<vmem>>, vector<16xf32>,
    %swap3A_542 = vector.shape_cast %swap3A_541 : vector<16xf32> to vector<16xf32>
    %swap3A_543 = vector.shape_cast %broadcast_in_dim3A_539 : vector<16xf32> to vector<16xf32>
    tpu.vector_store %arg11[%swap3A_540], %swap3A_543 {strides = array<i32>} : memref<512xf32, #tpu.memory_space<vmem>>, vector<16xf32>,
    %broadcast_in_dim3A_544 = arith.constant 0.000000e+00 : f32
    %broadcast_in_dim3A_545 = vector.broadcast %broadcast_in_dim3A_544 : f32 to vector<16xf32>
    %swap3A_546 = arith.constant 64 : index
    %swap3A_547 = tpu.vector_load %arg12[%swap3A_546] {strides = array<i32>} : memref<512xf32, #tpu.memory_space<vmem>>, vector<16xf32>,
    %swap3A_548 = vector.shape_cast %swap3A_547 : vector<16xf32> to vector<16xf32>
    %swap3A_549 = vector.shape_cast %broadcast_in_dim3A_545 : vector<16xf32> to vector<16xf32>
    tpu.vector_store %arg12[%swap3A_546], %swap3A_549 {strides = array<i32>} : memref<512xf32, #tpu.memory_space<vmem>>, vector<16xf32>,
    %broadcast_in_dim3A_550 = arith.constant 0.000000e+00 : f32
    %broadcast_in_dim3A_551 = vector.broadcast %broadcast_in_dim3A_550 : f32 to vector<16xf32>
    %swap3A_552 = arith.constant 80 : index
    %swap3A_553 = tpu.vector_load %arg11[%swap3A_552] {strides = array<i32>} : memref<512xf32, #tpu.memory_space<vmem>>, vector<16xf32>,
    %swap3A_554 = vector.shape_cast %swap3A_553 : vector<16xf32> to vector<16xf32>
    %swap3A_555 = vector.shape_cast %broadcast_in_dim3A_551 : vector<16xf32> to vector<16xf32>
    tpu.vector_store %arg11[%swap3A_552], %swap3A_555 {strides = array<i32>} : memref<512xf32, #tpu.memory_space<vmem>>, vector<16xf32>,
    %broadcast_in_dim3A_556 = arith.constant 0.000000e+00 : f32
    %broadcast_in_dim3A_557 = vector.broadcast %broadcast_in_dim3A_556 : f32 to vector<16xf32>
    %swap3A_558 = arith.constant 80 : index
    %swap3A_559 = tpu.vector_load %arg12[%swap3A_558] {strides = array<i32>} : memref<512xf32, #tpu.memory_space<vmem>>, vector<16xf32>,
    %swap3A_560 = vector.shape_cast %swap3A_559 : vector<16xf32> to vector<16xf32>
    %swap3A_561 = vector.shape_cast %broadcast_in_dim3A_557 : vector<16xf32> to vector<16xf32>
    tpu.vector_store %arg12[%swap3A_558], %swap3A_561 {strides = array<i32>} : memref<512xf32, #tpu.memory_space<vmem>>, vector<16xf32>,
    %broadcast_in_dim3A_562 = arith.constant 0.000000e+00 : f32
    %broadcast_in_dim3A_563 = vector.broadcast %broadcast_in_dim3A_562 : f32 to vector<16xf32>
    %swap3A_564 = arith.constant 96 : index
    %swap3A_565 = tpu.vector_load %arg11[%swap3A_564] {strides = array<i32>} : memref<512xf32, #tpu.memory_space<vmem>>, vector<16xf32>,
    %swap3A_566 = vector.shape_cast %swap3A_565 : vector<16xf32> to vector<16xf32>
    %swap3A_567 = vector.shape_cast %broadcast_in_dim3A_563 : vector<16xf32> to vector<16xf32>
    tpu.vector_store %arg11[%swap3A_564], %swap3A_567 {strides = array<i32>} : memref<512xf32, #tpu.memory_space<vmem>>, vector<16xf32>,
    %broadcast_in_dim3A_568 = arith.constant 0.000000e+00 : f32
    %broadcast_in_dim3A_569 = vector.broadcast %broadcast_in_dim3A_568 : f32 to vector<16xf32>
    %swap3A_570 = arith.constant 96 : index
    %swap3A_571 = tpu.vector_load %arg12[%swap3A_570] {strides = array<i32>} : memref<512xf32, #tpu.memory_space<vmem>>, vector<16xf32>,
    %swap3A_572 = vector.shape_cast %swap3A_571 : vector<16xf32> to vector<16xf32>
    %swap3A_573 = vector.shape_cast %broadcast_in_dim3A_569 : vector<16xf32> to vector<16xf32>
    tpu.vector_store %arg12[%swap3A_570], %swap3A_573 {strides = array<i32>} : memref<512xf32, #tpu.memory_space<vmem>>, vector<16xf32>,
    %broadcast_in_dim3A_574 = arith.constant 0.000000e+00 : f32
    %broadcast_in_dim3A_575 = vector.broadcast %broadcast_in_dim3A_574 : f32 to vector<16xf32>
    %swap3A_576 = arith.constant 112 : index
    %swap3A_577 = tpu.vector_load %arg11[%swap3A_576] {strides = array<i32>} : memref<512xf32, #tpu.memory_space<vmem>>, vector<16xf32>,
    %swap3A_578 = vector.shape_cast %swap3A_577 : vector<16xf32> to vector<16xf32>
    %swap3A_579 = vector.shape_cast %broadcast_in_dim3A_575 : vector<16xf32> to vector<16xf32>
    tpu.vector_store %arg11[%swap3A_576], %swap3A_579 {strides = array<i32>} : memref<512xf32, #tpu.memory_space<vmem>>, vector<16xf32>,
    %broadcast_in_dim3A_580 = arith.constant 0.000000e+00 : f32
    %broadcast_in_dim3A_581 = vector.broadcast %broadcast_in_dim3A_580 : f32 to vector<16xf32>
    %swap3A_582 = arith.constant 112 : index
    %swap3A_583 = tpu.vector_load %arg12[%swap3A_582] {strides = array<i32>} : memref<512xf32, #tpu.memory_space<vmem>>, vector<16xf32>,
    %swap3A_584 = vector.shape_cast %swap3A_583 : vector<16xf32> to vector<16xf32>
    %swap3A_585 = vector.shape_cast %broadcast_in_dim3A_581 : vector<16xf32> to vector<16xf32>
    tpu.vector_store %arg12[%swap3A_582], %swap3A_585 {strides = array<i32>} : memref<512xf32, #tpu.memory_space<vmem>>, vector<16xf32>,
    %broadcast_in_dim3A_586 = arith.constant 0.000000e+00 : f32
    %broadcast_in_dim3A_587 = vector.broadcast %broadcast_in_dim3A_586 : f32 to vector<16xf32>
    %swap3A_588 = arith.constant 128 : index
    %swap3A_589 = tpu.vector_load %arg11[%swap3A_588] {strides = array<i32>} : memref<512xf32, #tpu.memory_space<vmem>>, vector<16xf32>,
    %swap3A_590 = vector.shape_cast %swap3A_589 : vector<16xf32> to vector<16xf32>
    %swap3A_591 = vector.shape_cast %broadcast_in_dim3A_587 : vector<16xf32> to vector<16xf32>
    tpu.vector_store %arg11[%swap3A_588], %swap3A_591 {strides = array<i32>} : memref<512xf32, #tpu.memory_space<vmem>>, vector<16xf32>,
    %broadcast_in_dim3A_592 = arith.constant 0.000000e+00 : f32
    %broadcast_in_dim3A_593 = vector.broadcast %broadcast_in_dim3A_592 : f32 to vector<16xf32>
    %swap3A_594 = arith.constant 128 : index
    %swap3A_595 = tpu.vector_load %arg12[%swap3A_594] {strides = array<i32>} : memref<512xf32, #tpu.memory_space<vmem>>, vector<16xf32>,
    %swap3A_596 = vector.shape_cast %swap3A_595 : vector<16xf32> to vector<16xf32>
    %swap3A_597 = vector.shape_cast %broadcast_in_dim3A_593 : vector<16xf32> to vector<16xf32>
    tpu.vector_store %arg12[%swap3A_594], %swap3A_597 {strides = array<i32>} : memref<512xf32, #tpu.memory_space<vmem>>, vector<16xf32>,
    %broadcast_in_dim3A_598 = arith.constant 0.000000e+00 : f32
    %broadcast_in_dim3A_599 = vector.broadcast %broadcast_in_dim3A_598 : f32 to vector<16xf32>
    %swap3A_600 = arith.constant 144 : index
    %swap3A_601 = tpu.vector_load %arg11[%swap3A_600] {strides = array<i32>} : memref<512xf32, #tpu.memory_space<vmem>>, vector<16xf32>,
    %swap3A_602 = vector.shape_cast %swap3A_601 : vector<16xf32> to vector<16xf32>
    %swap3A_603 = vector.shape_cast %broadcast_in_dim3A_599 : vector<16xf32> to vector<16xf32>
    tpu.vector_store %arg11[%swap3A_600], %swap3A_603 {strides = array<i32>} : memref<512xf32, #tpu.memory_space<vmem>>, vector<16xf32>,
    %broadcast_in_dim3A_604 = arith.constant 0.000000e+00 : f32
    %broadcast_in_dim3A_605 = vector.broadcast %broadcast_in_dim3A_604 : f32 to vector<16xf32>
    %swap3A_606 = arith.constant 144 : index
    %swap3A_607 = tpu.vector_load %arg12[%swap3A_606] {strides = array<i32>} : memref<512xf32, #tpu.memory_space<vmem>>, vector<16xf32>,
    %swap3A_608 = vector.shape_cast %swap3A_607 : vector<16xf32> to vector<16xf32>
    %swap3A_609 = vector.shape_cast %broadcast_in_dim3A_605 : vector<16xf32> to vector<16xf32>
    tpu.vector_store %arg12[%swap3A_606], %swap3A_609 {strides = array<i32>} : memref<512xf32, #tpu.memory_space<vmem>>, vector<16xf32>,
    %broadcast_in_dim3A_610 = arith.constant 0.000000e+00 : f32
    %broadcast_in_dim3A_611 = vector.broadcast %broadcast_in_dim3A_610 : f32 to vector<16xf32>
    %swap3A_612 = arith.constant 160 : index
    %swap3A_613 = tpu.vector_load %arg11[%swap3A_612] {strides = array<i32>} : memref<512xf32, #tpu.memory_space<vmem>>, vector<16xf32>,
    %swap3A_614 = vector.shape_cast %swap3A_613 : vector<16xf32> to vector<16xf32>
    %swap3A_615 = vector.shape_cast %broadcast_in_dim3A_611 : vector<16xf32> to vector<16xf32>
    tpu.vector_store %arg11[%swap3A_612], %swap3A_615 {strides = array<i32>} : memref<512xf32, #tpu.memory_space<vmem>>, vector<16xf32>,
    %broadcast_in_dim3A_616 = arith.constant 0.000000e+00 : f32
    %broadcast_in_dim3A_617 = vector.broadcast %broadcast_in_dim3A_616 : f32 to vector<16xf32>
    %swap3A_618 = arith.constant 160 : index
    %swap3A_619 = tpu.vector_load %arg12[%swap3A_618] {strides = array<i32>} : memref<512xf32, #tpu.memory_space<vmem>>, vector<16xf32>,
    %swap3A_620 = vector.shape_cast %swap3A_619 : vector<16xf32> to vector<16xf32>
    %swap3A_621 = vector.shape_cast %broadcast_in_dim3A_617 : vector<16xf32> to vector<16xf32>
    tpu.vector_store %arg12[%swap3A_618], %swap3A_621 {strides = array<i32>} : memref<512xf32, #tpu.memory_space<vmem>>, vector<16xf32>,
    %broadcast_in_dim3A_622 = arith.constant 0.000000e+00 : f32
    %broadcast_in_dim3A_623 = vector.broadcast %broadcast_in_dim3A_622 : f32 to vector<16xf32>
    %swap3A_624 = arith.constant 176 : index
    %swap3A_625 = tpu.vector_load %arg11[%swap3A_624] {strides = array<i32>} : memref<512xf32, #tpu.memory_space<vmem>>, vector<16xf32>,
    %swap3A_626 = vector.shape_cast %swap3A_625 : vector<16xf32> to vector<16xf32>
    %swap3A_627 = vector.shape_cast %broadcast_in_dim3A_623 : vector<16xf32> to vector<16xf32>
    tpu.vector_store %arg11[%swap3A_624], %swap3A_627 {strides = array<i32>} : memref<512xf32, #tpu.memory_space<vmem>>, vector<16xf32>,
    %broadcast_in_dim3A_628 = arith.constant 0.000000e+00 : f32
    %broadcast_in_dim3A_629 = vector.broadcast %broadcast_in_dim3A_628 : f32 to vector<16xf32>
    %swap3A_630 = arith.constant 176 : index
    %swap3A_631 = tpu.vector_load %arg12[%swap3A_630] {strides = array<i32>} : memref<512xf32, #tpu.memory_space<vmem>>, vector<16xf32>,
    %swap3A_632 = vector.shape_cast %swap3A_631 : vector<16xf32> to vector<16xf32>
    %swap3A_633 = vector.shape_cast %broadcast_in_dim3A_629 : vector<16xf32> to vector<16xf32>
    tpu.vector_store %arg12[%swap3A_630], %swap3A_633 {strides = array<i32>} : memref<512xf32, #tpu.memory_space<vmem>>, vector<16xf32>,
    %broadcast_in_dim3A_634 = arith.constant 0.000000e+00 : f32
    %broadcast_in_dim3A_635 = vector.broadcast %broadcast_in_dim3A_634 : f32 to vector<16xf32>
    %swap3A_636 = arith.constant 192 : index
    %swap3A_637 = tpu.vector_load %arg11[%swap3A_636] {strides = array<i32>} : memref<512xf32, #tpu.memory_space<vmem>>, vector<16xf32>,
    %swap3A_638 = vector.shape_cast %swap3A_637 : vector<16xf32> to vector<16xf32>
    %swap3A_639 = vector.shape_cast %broadcast_in_dim3A_635 : vector<16xf32> to vector<16xf32>
    tpu.vector_store %arg11[%swap3A_636], %swap3A_639 {strides = array<i32>} : memref<512xf32, #tpu.memory_space<vmem>>, vector<16xf32>,
    %broadcast_in_dim3A_640 = arith.constant 0.000000e+00 : f32
    %broadcast_in_dim3A_641 = vector.broadcast %broadcast_in_dim3A_640 : f32 to vector<16xf32>
    %swap3A_642 = arith.constant 192 : index
    %swap3A_643 = tpu.vector_load %arg12[%swap3A_642] {strides = array<i32>} : memref<512xf32, #tpu.memory_space<vmem>>, vector<16xf32>,
    %swap3A_644 = vector.shape_cast %swap3A_643 : vector<16xf32> to vector<16xf32>
    %swap3A_645 = vector.shape_cast %broadcast_in_dim3A_641 : vector<16xf32> to vector<16xf32>
    tpu.vector_store %arg12[%swap3A_642], %swap3A_645 {strides = array<i32>} : memref<512xf32, #tpu.memory_space<vmem>>, vector<16xf32>,
    %broadcast_in_dim3A_646 = arith.constant 0.000000e+00 : f32
    %broadcast_in_dim3A_647 = vector.broadcast %broadcast_in_dim3A_646 : f32 to vector<16xf32>
    %swap3A_648 = arith.constant 208 : index
    %swap3A_649 = tpu.vector_load %arg11[%swap3A_648] {strides = array<i32>} : memref<512xf32, #tpu.memory_space<vmem>>, vector<16xf32>,
    %swap3A_650 = vector.shape_cast %swap3A_649 : vector<16xf32> to vector<16xf32>
    %swap3A_651 = vector.shape_cast %broadcast_in_dim3A_647 : vector<16xf32> to vector<16xf32>
    tpu.vector_store %arg11[%swap3A_648], %swap3A_651 {strides = array<i32>} : memref<512xf32, #tpu.memory_space<vmem>>, vector<16xf32>,
    %broadcast_in_dim3A_652 = arith.constant 0.000000e+00 : f32
    %broadcast_in_dim3A_653 = vector.broadcast %broadcast_in_dim3A_652 : f32 to vector<16xf32>
    %swap3A_654 = arith.constant 208 : index
    %swap3A_655 = tpu.vector_load %arg12[%swap3A_654] {strides = array<i32>} : memref<512xf32, #tpu.memory_space<vmem>>, vector<16xf32>,
    %swap3A_656 = vector.shape_cast %swap3A_655 : vector<16xf32> to vector<16xf32>
    %swap3A_657 = vector.shape_cast %broadcast_in_dim3A_653 : vector<16xf32> to vector<16xf32>
    tpu.vector_store %arg12[%swap3A_654], %swap3A_657 {strides = array<i32>} : memref<512xf32, #tpu.memory_space<vmem>>, vector<16xf32>,
    %broadcast_in_dim3A_658 = arith.constant 0.000000e+00 : f32
    %broadcast_in_dim3A_659 = vector.broadcast %broadcast_in_dim3A_658 : f32 to vector<16xf32>
    %swap3A_660 = arith.constant 224 : index
    %swap3A_661 = tpu.vector_load %arg11[%swap3A_660] {strides = array<i32>} : memref<512xf32, #tpu.memory_space<vmem>>, vector<16xf32>,
    %swap3A_662 = vector.shape_cast %swap3A_661 : vector<16xf32> to vector<16xf32>
    %swap3A_663 = vector.shape_cast %broadcast_in_dim3A_659 : vector<16xf32> to vector<16xf32>
    tpu.vector_store %arg11[%swap3A_660], %swap3A_663 {strides = array<i32>} : memref<512xf32, #tpu.memory_space<vmem>>, vector<16xf32>,
    %broadcast_in_dim3A_664 = arith.constant 0.000000e+00 : f32
    %broadcast_in_dim3A_665 = vector.broadcast %broadcast_in_dim3A_664 : f32 to vector<16xf32>
    %swap3A_666 = arith.constant 224 : index
    %swap3A_667 = tpu.vector_load %arg12[%swap3A_666] {strides = array<i32>} : memref<512xf32, #tpu.memory_space<vmem>>, vector<16xf32>,
    %swap3A_668 = vector.shape_cast %swap3A_667 : vector<16xf32> to vector<16xf32>
    %swap3A_669 = vector.shape_cast %broadcast_in_dim3A_665 : vector<16xf32> to vector<16xf32>
    tpu.vector_store %arg12[%swap3A_666], %swap3A_669 {strides = array<i32>} : memref<512xf32, #tpu.memory_space<vmem>>, vector<16xf32>,
    %broadcast_in_dim3A_670 = arith.constant 0.000000e+00 : f32
    %broadcast_in_dim3A_671 = vector.broadcast %broadcast_in_dim3A_670 : f32 to vector<16xf32>
    %swap3A_672 = arith.constant 240 : index
    %swap3A_673 = tpu.vector_load %arg11[%swap3A_672] {strides = array<i32>} : memref<512xf32, #tpu.memory_space<vmem>>, vector<16xf32>,
    %swap3A_674 = vector.shape_cast %swap3A_673 : vector<16xf32> to vector<16xf32>
    %swap3A_675 = vector.shape_cast %broadcast_in_dim3A_671 : vector<16xf32> to vector<16xf32>
    tpu.vector_store %arg11[%swap3A_672], %swap3A_675 {strides = array<i32>} : memref<512xf32, #tpu.memory_space<vmem>>, vector<16xf32>,
    %broadcast_in_dim3A_676 = arith.constant 0.000000e+00 : f32
    %broadcast_in_dim3A_677 = vector.broadcast %broadcast_in_dim3A_676 : f32 to vector<16xf32>
    %swap3A_678 = arith.constant 240 : index
    %swap3A_679 = tpu.vector_load %arg12[%swap3A_678] {strides = array<i32>} : memref<512xf32, #tpu.memory_space<vmem>>, vector<16xf32>,
    %swap3A_680 = vector.shape_cast %swap3A_679 : vector<16xf32> to vector<16xf32>
    %swap3A_681 = vector.shape_cast %broadcast_in_dim3A_677 : vector<16xf32> to vector<16xf32>
    tpu.vector_store %arg12[%swap3A_678], %swap3A_681 {strides = array<i32>} : memref<512xf32, #tpu.memory_space<vmem>>, vector<16xf32>,
    %broadcast_in_dim3A_682 = arith.constant 0.000000e+00 : f32
    %broadcast_in_dim3A_683 = vector.broadcast %broadcast_in_dim3A_682 : f32 to vector<16xf32>
    %swap3A_684 = arith.constant 256 : index
    %swap3A_685 = tpu.vector_load %arg11[%swap3A_684] {strides = array<i32>} : memref<512xf32, #tpu.memory_space<vmem>>, vector<16xf32>,
    %swap3A_686 = vector.shape_cast %swap3A_685 : vector<16xf32> to vector<16xf32>
    %swap3A_687 = vector.shape_cast %broadcast_in_dim3A_683 : vector<16xf32> to vector<16xf32>
    tpu.vector_store %arg11[%swap3A_684], %swap3A_687 {strides = array<i32>} : memref<512xf32, #tpu.memory_space<vmem>>, vector<16xf32>,
    %broadcast_in_dim3A_688 = arith.constant 0.000000e+00 : f32
    %broadcast_in_dim3A_689 = vector.broadcast %broadcast_in_dim3A_688 : f32 to vector<16xf32>
    %swap3A_690 = arith.constant 256 : index
    %swap3A_691 = tpu.vector_load %arg12[%swap3A_690] {strides = array<i32>} : memref<512xf32, #tpu.memory_space<vmem>>, vector<16xf32>,
    %swap3A_692 = vector.shape_cast %swap3A_691 : vector<16xf32> to vector<16xf32>
    %swap3A_693 = vector.shape_cast %broadcast_in_dim3A_689 : vector<16xf32> to vector<16xf32>
    tpu.vector_store %arg12[%swap3A_690], %swap3A_693 {strides = array<i32>} : memref<512xf32, #tpu.memory_space<vmem>>, vector<16xf32>,
    %broadcast_in_dim3A_694 = arith.constant 0.000000e+00 : f32
    %broadcast_in_dim3A_695 = vector.broadcast %broadcast_in_dim3A_694 : f32 to vector<16xf32>
    %swap3A_696 = arith.constant 272 : index
    %swap3A_697 = tpu.vector_load %arg11[%swap3A_696] {strides = array<i32>} : memref<512xf32, #tpu.memory_space<vmem>>, vector<16xf32>,
    %swap3A_698 = vector.shape_cast %swap3A_697 : vector<16xf32> to vector<16xf32>
    %swap3A_699 = vector.shape_cast %broadcast_in_dim3A_695 : vector<16xf32> to vector<16xf32>
    tpu.vector_store %arg11[%swap3A_696], %swap3A_699 {strides = array<i32>} : memref<512xf32, #tpu.memory_space<vmem>>, vector<16xf32>,
    %broadcast_in_dim3A_700 = arith.constant 0.000000e+00 : f32
    %broadcast_in_dim3A_701 = vector.broadcast %broadcast_in_dim3A_700 : f32 to vector<16xf32>
    %swap3A_702 = arith.constant 272 : index
    %swap3A_703 = tpu.vector_load %arg12[%swap3A_702] {strides = array<i32>} : memref<512xf32, #tpu.memory_space<vmem>>, vector<16xf32>,
    %swap3A_704 = vector.shape_cast %swap3A_703 : vector<16xf32> to vector<16xf32>
    %swap3A_705 = vector.shape_cast %broadcast_in_dim3A_701 : vector<16xf32> to vector<16xf32>
    tpu.vector_store %arg12[%swap3A_702], %swap3A_705 {strides = array<i32>} : memref<512xf32, #tpu.memory_space<vmem>>, vector<16xf32>,
    %broadcast_in_dim3A_706 = arith.constant 0.000000e+00 : f32
    %broadcast_in_dim3A_707 = vector.broadcast %broadcast_in_dim3A_706 : f32 to vector<16xf32>
    %swap3A_708 = arith.constant 288 : index
    %swap3A_709 = tpu.vector_load %arg11[%swap3A_708] {strides = array<i32>} : memref<512xf32, #tpu.memory_space<vmem>>, vector<16xf32>,
    %swap3A_710 = vector.shape_cast %swap3A_709 : vector<16xf32> to vector<16xf32>
    %swap3A_711 = vector.shape_cast %broadcast_in_dim3A_707 : vector<16xf32> to vector<16xf32>
    tpu.vector_store %arg11[%swap3A_708], %swap3A_711 {strides = array<i32>} : memref<512xf32, #tpu.memory_space<vmem>>, vector<16xf32>,
    %broadcast_in_dim3A_712 = arith.constant 0.000000e+00 : f32
    %broadcast_in_dim3A_713 = vector.broadcast %broadcast_in_dim3A_712 : f32 to vector<16xf32>
    %swap3A_714 = arith.constant 288 : index
    %swap3A_715 = tpu.vector_load %arg12[%swap3A_714] {strides = array<i32>} : memref<512xf32, #tpu.memory_space<vmem>>, vector<16xf32>,
    %swap3A_716 = vector.shape_cast %swap3A_715 : vector<16xf32> to vector<16xf32>
    %swap3A_717 = vector.shape_cast %broadcast_in_dim3A_713 : vector<16xf32> to vector<16xf32>
    tpu.vector_store %arg12[%swap3A_714], %swap3A_717 {strides = array<i32>} : memref<512xf32, #tpu.memory_space<vmem>>, vector<16xf32>,
    %broadcast_in_dim3A_718 = arith.constant 0.000000e+00 : f32
    %broadcast_in_dim3A_719 = vector.broadcast %broadcast_in_dim3A_718 : f32 to vector<16xf32>
    %swap3A_720 = arith.constant 304 : index
    %swap3A_721 = tpu.vector_load %arg11[%swap3A_720] {strides = array<i32>} : memref<512xf32, #tpu.memory_space<vmem>>, vector<16xf32>,
    %swap3A_722 = vector.shape_cast %swap3A_721 : vector<16xf32> to vector<16xf32>
    %swap3A_723 = vector.shape_cast %broadcast_in_dim3A_719 : vector<16xf32> to vector<16xf32>
    tpu.vector_store %arg11[%swap3A_720], %swap3A_723 {strides = array<i32>} : memref<512xf32, #tpu.memory_space<vmem>>, vector<16xf32>,
    %broadcast_in_dim3A_724 = arith.constant 0.000000e+00 : f32
    %broadcast_in_dim3A_725 = vector.broadcast %broadcast_in_dim3A_724 : f32 to vector<16xf32>
    %swap3A_726 = arith.constant 304 : index
    %swap3A_727 = tpu.vector_load %arg12[%swap3A_726] {strides = array<i32>} : memref<512xf32, #tpu.memory_space<vmem>>, vector<16xf32>,
    %swap3A_728 = vector.shape_cast %swap3A_727 : vector<16xf32> to vector<16xf32>
    %swap3A_729 = vector.shape_cast %broadcast_in_dim3A_725 : vector<16xf32> to vector<16xf32>
    tpu.vector_store %arg12[%swap3A_726], %swap3A_729 {strides = array<i32>} : memref<512xf32, #tpu.memory_space<vmem>>, vector<16xf32>,
    %broadcast_in_dim3A_730 = arith.constant 0.000000e+00 : f32
    %broadcast_in_dim3A_731 = vector.broadcast %broadcast_in_dim3A_730 : f32 to vector<16xf32>
    %swap3A_732 = arith.constant 320 : index
    %swap3A_733 = tpu.vector_load %arg11[%swap3A_732] {strides = array<i32>} : memref<512xf32, #tpu.memory_space<vmem>>, vector<16xf32>,
    %swap3A_734 = vector.shape_cast %swap3A_733 : vector<16xf32> to vector<16xf32>
    %swap3A_735 = vector.shape_cast %broadcast_in_dim3A_731 : vector<16xf32> to vector<16xf32>
    tpu.vector_store %arg11[%swap3A_732], %swap3A_735 {strides = array<i32>} : memref<512xf32, #tpu.memory_space<vmem>>, vector<16xf32>,
    %broadcast_in_dim3A_736 = arith.constant 0.000000e+00 : f32
    %broadcast_in_dim3A_737 = vector.broadcast %broadcast_in_dim3A_736 : f32 to vector<16xf32>
    %swap3A_738 = arith.constant 320 : index
    %swap3A_739 = tpu.vector_load %arg12[%swap3A_738] {strides = array<i32>} : memref<512xf32, #tpu.memory_space<vmem>>, vector<16xf32>,
    %swap3A_740 = vector.shape_cast %swap3A_739 : vector<16xf32> to vector<16xf32>
    %swap3A_741 = vector.shape_cast %broadcast_in_dim3A_737 : vector<16xf32> to vector<16xf32>
    tpu.vector_store %arg12[%swap3A_738], %swap3A_741 {strides = array<i32>} : memref<512xf32, #tpu.memory_space<vmem>>, vector<16xf32>,
    %broadcast_in_dim3A_742 = arith.constant 0.000000e+00 : f32
    %broadcast_in_dim3A_743 = vector.broadcast %broadcast_in_dim3A_742 : f32 to vector<16xf32>
    %swap3A_744 = arith.constant 336 : index
    %swap3A_745 = tpu.vector_load %arg11[%swap3A_744] {strides = array<i32>} : memref<512xf32, #tpu.memory_space<vmem>>, vector<16xf32>,
    %swap3A_746 = vector.shape_cast %swap3A_745 : vector<16xf32> to vector<16xf32>
    %swap3A_747 = vector.shape_cast %broadcast_in_dim3A_743 : vector<16xf32> to vector<16xf32>
    tpu.vector_store %arg11[%swap3A_744], %swap3A_747 {strides = array<i32>} : memref<512xf32, #tpu.memory_space<vmem>>, vector<16xf32>,
    %broadcast_in_dim3A_748 = arith.constant 0.000000e+00 : f32
    %broadcast_in_dim3A_749 = vector.broadcast %broadcast_in_dim3A_748 : f32 to vector<16xf32>
    %swap3A_750 = arith.constant 336 : index
    %swap3A_751 = tpu.vector_load %arg12[%swap3A_750] {strides = array<i32>} : memref<512xf32, #tpu.memory_space<vmem>>, vector<16xf32>,
    %swap3A_752 = vector.shape_cast %swap3A_751 : vector<16xf32> to vector<16xf32>
    %swap3A_753 = vector.shape_cast %broadcast_in_dim3A_749 : vector<16xf32> to vector<16xf32>
    tpu.vector_store %arg12[%swap3A_750], %swap3A_753 {strides = array<i32>} : memref<512xf32, #tpu.memory_space<vmem>>, vector<16xf32>,
    %broadcast_in_dim3A_754 = arith.constant 0.000000e+00 : f32
    %broadcast_in_dim3A_755 = vector.broadcast %broadcast_in_dim3A_754 : f32 to vector<16xf32>
    %swap3A_756 = arith.constant 352 : index
    %swap3A_757 = tpu.vector_load %arg11[%swap3A_756] {strides = array<i32>} : memref<512xf32, #tpu.memory_space<vmem>>, vector<16xf32>,
    %swap3A_758 = vector.shape_cast %swap3A_757 : vector<16xf32> to vector<16xf32>
    %swap3A_759 = vector.shape_cast %broadcast_in_dim3A_755 : vector<16xf32> to vector<16xf32>
    tpu.vector_store %arg11[%swap3A_756], %swap3A_759 {strides = array<i32>} : memref<512xf32, #tpu.memory_space<vmem>>, vector<16xf32>,
    %broadcast_in_dim3A_760 = arith.constant 0.000000e+00 : f32
    %broadcast_in_dim3A_761 = vector.broadcast %broadcast_in_dim3A_760 : f32 to vector<16xf32>
    %swap3A_762 = arith.constant 352 : index
    %swap3A_763 = tpu.vector_load %arg12[%swap3A_762] {strides = array<i32>} : memref<512xf32, #tpu.memory_space<vmem>>, vector<16xf32>,
    %swap3A_764 = vector.shape_cast %swap3A_763 : vector<16xf32> to vector<16xf32>
    %swap3A_765 = vector.shape_cast %broadcast_in_dim3A_761 : vector<16xf32> to vector<16xf32>
    tpu.vector_store %arg12[%swap3A_762], %swap3A_765 {strides = array<i32>} : memref<512xf32, #tpu.memory_space<vmem>>, vector<16xf32>,
    %broadcast_in_dim3A_766 = arith.constant 0.000000e+00 : f32
    %broadcast_in_dim3A_767 = vector.broadcast %broadcast_in_dim3A_766 : f32 to vector<16xf32>
    %swap3A_768 = arith.constant 368 : index
    %swap3A_769 = tpu.vector_load %arg11[%swap3A_768] {strides = array<i32>} : memref<512xf32, #tpu.memory_space<vmem>>, vector<16xf32>,
    %swap3A_770 = vector.shape_cast %swap3A_769 : vector<16xf32> to vector<16xf32>
    %swap3A_771 = vector.shape_cast %broadcast_in_dim3A_767 : vector<16xf32> to vector<16xf32>
    tpu.vector_store %arg11[%swap3A_768], %swap3A_771 {strides = array<i32>} : memref<512xf32, #tpu.memory_space<vmem>>, vector<16xf32>,
    %broadcast_in_dim3A_772 = arith.constant 0.000000e+00 : f32
    %broadcast_in_dim3A_773 = vector.broadcast %broadcast_in_dim3A_772 : f32 to vector<16xf32>
    %swap3A_774 = arith.constant 368 : index
    %swap3A_775 = tpu.vector_load %arg12[%swap3A_774] {strides = array<i32>} : memref<512xf32, #tpu.memory_space<vmem>>, vector<16xf32>,
    %swap3A_776 = vector.shape_cast %swap3A_775 : vector<16xf32> to vector<16xf32>
    %swap3A_777 = vector.shape_cast %broadcast_in_dim3A_773 : vector<16xf32> to vector<16xf32>
    tpu.vector_store %arg12[%swap3A_774], %swap3A_777 {strides = array<i32>} : memref<512xf32, #tpu.memory_space<vmem>>, vector<16xf32>,
    %broadcast_in_dim3A_778 = arith.constant 0.000000e+00 : f32
    %broadcast_in_dim3A_779 = vector.broadcast %broadcast_in_dim3A_778 : f32 to vector<16xf32>
    %swap3A_780 = arith.constant 384 : index
    %swap3A_781 = tpu.vector_load %arg11[%swap3A_780] {strides = array<i32>} : memref<512xf32, #tpu.memory_space<vmem>>, vector<16xf32>,
    %swap3A_782 = vector.shape_cast %swap3A_781 : vector<16xf32> to vector<16xf32>
    %swap3A_783 = vector.shape_cast %broadcast_in_dim3A_779 : vector<16xf32> to vector<16xf32>
    tpu.vector_store %arg11[%swap3A_780], %swap3A_783 {strides = array<i32>} : memref<512xf32, #tpu.memory_space<vmem>>, vector<16xf32>,
    %broadcast_in_dim3A_784 = arith.constant 0.000000e+00 : f32
    %broadcast_in_dim3A_785 = vector.broadcast %broadcast_in_dim3A_784 : f32 to vector<16xf32>
    %swap3A_786 = arith.constant 384 : index
    %swap3A_787 = tpu.vector_load %arg12[%swap3A_786] {strides = array<i32>} : memref<512xf32, #tpu.memory_space<vmem>>, vector<16xf32>,
    %swap3A_788 = vector.shape_cast %swap3A_787 : vector<16xf32> to vector<16xf32>
    %swap3A_789 = vector.shape_cast %broadcast_in_dim3A_785 : vector<16xf32> to vector<16xf32>
    tpu.vector_store %arg12[%swap3A_786], %swap3A_789 {strides = array<i32>} : memref<512xf32, #tpu.memory_space<vmem>>, vector<16xf32>,
    %broadcast_in_dim3A_790 = arith.constant 0.000000e+00 : f32
    %broadcast_in_dim3A_791 = vector.broadcast %broadcast_in_dim3A_790 : f32 to vector<16xf32>
    %swap3A_792 = arith.constant 400 : index
    %swap3A_793 = tpu.vector_load %arg11[%swap3A_792] {strides = array<i32>} : memref<512xf32, #tpu.memory_space<vmem>>, vector<16xf32>,
    %swap3A_794 = vector.shape_cast %swap3A_793 : vector<16xf32> to vector<16xf32>
    %swap3A_795 = vector.shape_cast %broadcast_in_dim3A_791 : vector<16xf32> to vector<16xf32>
    tpu.vector_store %arg11[%swap3A_792], %swap3A_795 {strides = array<i32>} : memref<512xf32, #tpu.memory_space<vmem>>, vector<16xf32>,
    %broadcast_in_dim3A_796 = arith.constant 0.000000e+00 : f32
    %broadcast_in_dim3A_797 = vector.broadcast %broadcast_in_dim3A_796 : f32 to vector<16xf32>
    %swap3A_798 = arith.constant 400 : index
    %swap3A_799 = tpu.vector_load %arg12[%swap3A_798] {strides = array<i32>} : memref<512xf32, #tpu.memory_space<vmem>>, vector<16xf32>,
    %swap3A_800 = vector.shape_cast %swap3A_799 : vector<16xf32> to vector<16xf32>
    %swap3A_801 = vector.shape_cast %broadcast_in_dim3A_797 : vector<16xf32> to vector<16xf32>
    tpu.vector_store %arg12[%swap3A_798], %swap3A_801 {strides = array<i32>} : memref<512xf32, #tpu.memory_space<vmem>>, vector<16xf32>,
    %broadcast_in_dim3A_802 = arith.constant 0.000000e+00 : f32
    %broadcast_in_dim3A_803 = vector.broadcast %broadcast_in_dim3A_802 : f32 to vector<16xf32>
    %swap3A_804 = arith.constant 416 : index
    %swap3A_805 = tpu.vector_load %arg11[%swap3A_804] {strides = array<i32>} : memref<512xf32, #tpu.memory_space<vmem>>, vector<16xf32>,
    %swap3A_806 = vector.shape_cast %swap3A_805 : vector<16xf32> to vector<16xf32>
    %swap3A_807 = vector.shape_cast %broadcast_in_dim3A_803 : vector<16xf32> to vector<16xf32>
    tpu.vector_store %arg11[%swap3A_804], %swap3A_807 {strides = array<i32>} : memref<512xf32, #tpu.memory_space<vmem>>, vector<16xf32>,
    %broadcast_in_dim3A_808 = arith.constant 0.000000e+00 : f32
    %broadcast_in_dim3A_809 = vector.broadcast %broadcast_in_dim3A_808 : f32 to vector<16xf32>
    %swap3A_810 = arith.constant 416 : index
    %swap3A_811 = tpu.vector_load %arg12[%swap3A_810] {strides = array<i32>} : memref<512xf32, #tpu.memory_space<vmem>>, vector<16xf32>,
    %swap3A_812 = vector.shape_cast %swap3A_811 : vector<16xf32> to vector<16xf32>
    %swap3A_813 = vector.shape_cast %broadcast_in_dim3A_809 : vector<16xf32> to vector<16xf32>
    tpu.vector_store %arg12[%swap3A_810], %swap3A_813 {strides = array<i32>} : memref<512xf32, #tpu.memory_space<vmem>>, vector<16xf32>,
    %broadcast_in_dim3A_814 = arith.constant 0.000000e+00 : f32
    %broadcast_in_dim3A_815 = vector.broadcast %broadcast_in_dim3A_814 : f32 to vector<16xf32>
    %swap3A_816 = arith.constant 432 : index
    %swap3A_817 = tpu.vector_load %arg11[%swap3A_816] {strides = array<i32>} : memref<512xf32, #tpu.memory_space<vmem>>, vector<16xf32>,
    %swap3A_818 = vector.shape_cast %swap3A_817 : vector<16xf32> to vector<16xf32>
    %swap3A_819 = vector.shape_cast %broadcast_in_dim3A_815 : vector<16xf32> to vector<16xf32>
    tpu.vector_store %arg11[%swap3A_816], %swap3A_819 {strides = array<i32>} : memref<512xf32, #tpu.memory_space<vmem>>, vector<16xf32>,
    %broadcast_in_dim3A_820 = arith.constant 0.000000e+00 : f32
    %broadcast_in_dim3A_821 = vector.broadcast %broadcast_in_dim3A_820 : f32 to vector<16xf32>
    %swap3A_822 = arith.constant 432 : index
    %swap3A_823 = tpu.vector_load %arg12[%swap3A_822] {strides = array<i32>} : memref<512xf32, #tpu.memory_space<vmem>>, vector<16xf32>,
    %swap3A_824 = vector.shape_cast %swap3A_823 : vector<16xf32> to vector<16xf32>
    %swap3A_825 = vector.shape_cast %broadcast_in_dim3A_821 : vector<16xf32> to vector<16xf32>
    tpu.vector_store %arg12[%swap3A_822], %swap3A_825 {strides = array<i32>} : memref<512xf32, #tpu.memory_space<vmem>>, vector<16xf32>,
    %broadcast_in_dim3A_826 = arith.constant 0.000000e+00 : f32
    %broadcast_in_dim3A_827 = vector.broadcast %broadcast_in_dim3A_826 : f32 to vector<16xf32>
    %swap3A_828 = arith.constant 448 : index
    %swap3A_829 = tpu.vector_load %arg11[%swap3A_828] {strides = array<i32>} : memref<512xf32, #tpu.memory_space<vmem>>, vector<16xf32>,
    %swap3A_830 = vector.shape_cast %swap3A_829 : vector<16xf32> to vector<16xf32>
    %swap3A_831 = vector.shape_cast %broadcast_in_dim3A_827 : vector<16xf32> to vector<16xf32>
    tpu.vector_store %arg11[%swap3A_828], %swap3A_831 {strides = array<i32>} : memref<512xf32, #tpu.memory_space<vmem>>, vector<16xf32>,
    %broadcast_in_dim3A_832 = arith.constant 0.000000e+00 : f32
    %broadcast_in_dim3A_833 = vector.broadcast %broadcast_in_dim3A_832 : f32 to vector<16xf32>
    %swap3A_834 = arith.constant 448 : index
    %swap3A_835 = tpu.vector_load %arg12[%swap3A_834] {strides = array<i32>} : memref<512xf32, #tpu.memory_space<vmem>>, vector<16xf32>,
    %swap3A_836 = vector.shape_cast %swap3A_835 : vector<16xf32> to vector<16xf32>
    %swap3A_837 = vector.shape_cast %broadcast_in_dim3A_833 : vector<16xf32> to vector<16xf32>
    tpu.vector_store %arg12[%swap3A_834], %swap3A_837 {strides = array<i32>} : memref<512xf32, #tpu.memory_space<vmem>>, vector<16xf32>,
    %broadcast_in_dim3A_838 = arith.constant 0.000000e+00 : f32
    %broadcast_in_dim3A_839 = vector.broadcast %broadcast_in_dim3A_838 : f32 to vector<16xf32>
    %swap3A_840 = arith.constant 464 : index
    %swap3A_841 = tpu.vector_load %arg11[%swap3A_840] {strides = array<i32>} : memref<512xf32, #tpu.memory_space<vmem>>, vector<16xf32>,
    %swap3A_842 = vector.shape_cast %swap3A_841 : vector<16xf32> to vector<16xf32>
    %swap3A_843 = vector.shape_cast %broadcast_in_dim3A_839 : vector<16xf32> to vector<16xf32>
    tpu.vector_store %arg11[%swap3A_840], %swap3A_843 {strides = array<i32>} : memref<512xf32, #tpu.memory_space<vmem>>, vector<16xf32>,
    %broadcast_in_dim3A_844 = arith.constant 0.000000e+00 : f32
    %broadcast_in_dim3A_845 = vector.broadcast %broadcast_in_dim3A_844 : f32 to vector<16xf32>
    %swap3A_846 = arith.constant 464 : index
    %swap3A_847 = tpu.vector_load %arg12[%swap3A_846] {strides = array<i32>} : memref<512xf32, #tpu.memory_space<vmem>>, vector<16xf32>,
    %swap3A_848 = vector.shape_cast %swap3A_847 : vector<16xf32> to vector<16xf32>
    %swap3A_849 = vector.shape_cast %broadcast_in_dim3A_845 : vector<16xf32> to vector<16xf32>
    tpu.vector_store %arg12[%swap3A_846], %swap3A_849 {strides = array<i32>} : memref<512xf32, #tpu.memory_space<vmem>>, vector<16xf32>,
    %broadcast_in_dim3A_850 = arith.constant 0.000000e+00 : f32
    %broadcast_in_dim3A_851 = vector.broadcast %broadcast_in_dim3A_850 : f32 to vector<16xf32>
    %swap3A_852 = arith.constant 480 : index
    %swap3A_853 = tpu.vector_load %arg11[%swap3A_852] {strides = array<i32>} : memref<512xf32, #tpu.memory_space<vmem>>, vector<16xf32>,
    %swap3A_854 = vector.shape_cast %swap3A_853 : vector<16xf32> to vector<16xf32>
    %swap3A_855 = vector.shape_cast %broadcast_in_dim3A_851 : vector<16xf32> to vector<16xf32>
    tpu.vector_store %arg11[%swap3A_852], %swap3A_855 {strides = array<i32>} : memref<512xf32, #tpu.memory_space<vmem>>, vector<16xf32>,
    %broadcast_in_dim3A_856 = arith.constant 0.000000e+00 : f32
    %broadcast_in_dim3A_857 = vector.broadcast %broadcast_in_dim3A_856 : f32 to vector<16xf32>
    %swap3A_858 = arith.constant 480 : index
    %swap3A_859 = tpu.vector_load %arg12[%swap3A_858] {strides = array<i32>} : memref<512xf32, #tpu.memory_space<vmem>>, vector<16xf32>,
    %swap3A_860 = vector.shape_cast %swap3A_859 : vector<16xf32> to vector<16xf32>
    %swap3A_861 = vector.shape_cast %broadcast_in_dim3A_857 : vector<16xf32> to vector<16xf32>
    tpu.vector_store %arg12[%swap3A_858], %swap3A_861 {strides = array<i32>} : memref<512xf32, #tpu.memory_space<vmem>>, vector<16xf32>,
    %broadcast_in_dim3A_862 = arith.constant 0.000000e+00 : f32
    %broadcast_in_dim3A_863 = vector.broadcast %broadcast_in_dim3A_862 : f32 to vector<16xf32>
    %swap3A_864 = arith.constant 496 : index
    %swap3A_865 = tpu.vector_load %arg11[%swap3A_864] {strides = array<i32>} : memref<512xf32, #tpu.memory_space<vmem>>, vector<16xf32>,
    %swap3A_866 = vector.shape_cast %swap3A_865 : vector<16xf32> to vector<16xf32>
    %swap3A_867 = vector.shape_cast %broadcast_in_dim3A_863 : vector<16xf32> to vector<16xf32>
    tpu.vector_store %arg11[%swap3A_864], %swap3A_867 {strides = array<i32>} : memref<512xf32, #tpu.memory_space<vmem>>, vector<16xf32>,
    %broadcast_in_dim3A_868 = arith.constant 0.000000e+00 : f32
    %broadcast_in_dim3A_869 = vector.broadcast %broadcast_in_dim3A_868 : f32 to vector<16xf32>
    %swap3A_870 = arith.constant 496 : index
    %swap3A_871 = tpu.vector_load %arg12[%swap3A_870] {strides = array<i32>} : memref<512xf32, #tpu.memory_space<vmem>>, vector<16xf32>,
    %swap3A_872 = vector.shape_cast %swap3A_871 : vector<16xf32> to vector<16xf32>
    %swap3A_873 = vector.shape_cast %broadcast_in_dim3A_869 : vector<16xf32> to vector<16xf32>
    tpu.vector_store %arg12[%swap3A_870], %swap3A_873 {strides = array<i32>} : memref<512xf32, #tpu.memory_space<vmem>>, vector<16xf32>,
    "tpu.region"() ({
      %run_scoped3A = tpu.sem_alloc : memref<!tpu.dma_semaphore, #tpu.memory_space<semaphore_mem>>
      %dma_start3A_874 = arith.constant 0 : i32
      %dma_start3A_875 = tpu.memref_slice %arg4[%select_n3A, %select_n3A_30, %dma_start3A_874] : memref<4x8x512xf32, #tpu.memory_space<hbm>> -> memref<1x1x512xf32, #tpu.memory_space<hbm>>
      %dma_start3A_876 = tpu.memref_squeeze %dma_start3A_875 : memref<1x1x512xf32, #tpu.memory_space<hbm>> -> memref<512xf32, #tpu.memory_space<hbm>>
      %dma_start3A_877 = arith.constant 0 : i32
      %dma_start3A_878 = tpu.memref_slice %arg4[%select_n3A, %select_n3A_30, %dma_start3A_877] : memref<4x8x512xf32, #tpu.memory_space<hbm>> -> memref<1x1x512xf32, #tpu.memory_space<hbm>>
      %dma_start3A_879 = tpu.memref_squeeze %dma_start3A_878 : memref<1x1x512xf32, #tpu.memory_space<hbm>> -> memref<512xf32, #tpu.memory_space<hbm>>
      tpu.enqueue_dma source(%arg11 : memref<512xf32, #tpu.memory_space<vmem>>) target(%dma_start3A_879 : memref<512xf32, #tpu.memory_space<hbm>>) target_semaphore(%run_scoped3A : memref<!tpu.dma_semaphore, #tpu.memory_space<semaphore_mem>>)
      %dma_wait3A_880 = arith.constant 0 : i32
      %dma_wait3A_881 = tpu.memref_slice %arg4[%select_n3A, %select_n3A_30, %dma_wait3A_880] : memref<4x8x512xf32, #tpu.memory_space<hbm>> -> memref<1x1x512xf32, #tpu.memory_space<hbm>>
      %dma_wait3A_882 = tpu.memref_squeeze %dma_wait3A_881 : memref<1x1x512xf32, #tpu.memory_space<hbm>> -> memref<512xf32, #tpu.memory_space<hbm>>
      %dma_wait3A_883 = arith.constant 0 : i32
      %dma_wait3A_884 = tpu.memref_slice %arg4[%select_n3A, %select_n3A_30, %dma_wait3A_883] : memref<4x8x512xf32, #tpu.memory_space<hbm>> -> memref<1x1x512xf32, #tpu.memory_space<hbm>>
      %dma_wait3A_885 = tpu.memref_squeeze %dma_wait3A_884 : memref<1x1x512xf32, #tpu.memory_space<hbm>> -> memref<512xf32, #tpu.memory_space<hbm>>
      tpu.wait_dma2 semaphore(%run_scoped3A : memref<!tpu.dma_semaphore, #tpu.memory_space<semaphore_mem>>) src(%arg11 : memref<512xf32, #tpu.memory_space<vmem>>) dst(%dma_wait3A_885 : memref<512xf32, #tpu.memory_space<hbm>>)
      tpu.yield
    }) : () -> ()
    "tpu.region"() ({
      %run_scoped3A = tpu.sem_alloc : memref<!tpu.dma_semaphore, #tpu.memory_space<semaphore_mem>>
      %dma_start3A_874 = arith.constant 0 : i32
      %dma_start3A_875 = tpu.memref_slice %arg5[%select_n3A, %select_n3A_30, %dma_start3A_874] : memref<4x8x512xf32, #tpu.memory_space<hbm>> -> memref<1x1x512xf32, #tpu.memory_space<hbm>>
      %dma_start3A_876 = tpu.memref_squeeze %dma_start3A_875 : memref<1x1x512xf32, #tpu.memory_space<hbm>> -> memref<512xf32, #tpu.memory_space<hbm>>
      %dma_start3A_877 = arith.constant 0 : i32
      %dma_start3A_878 = tpu.memref_slice %arg5[%select_n3A, %select_n3A_30, %dma_start3A_877] : memref<4x8x512xf32, #tpu.memory_space<hbm>> -> memref<1x1x512xf32, #tpu.memory_space<hbm>>
      %dma_start3A_879 = tpu.memref_squeeze %dma_start3A_878 : memref<1x1x512xf32, #tpu.memory_space<hbm>> -> memref<512xf32, #tpu.memory_space<hbm>>
      tpu.enqueue_dma source(%arg12 : memref<512xf32, #tpu.memory_space<vmem>>) target(%dma_start3A_879 : memref<512xf32, #tpu.memory_space<hbm>>) target_semaphore(%run_scoped3A : memref<!tpu.dma_semaphore, #tpu.memory_space<semaphore_mem>>)
      %dma_wait3A_880 = arith.constant 0 : i32
      %dma_wait3A_881 = tpu.memref_slice %arg5[%select_n3A, %select_n3A_30, %dma_wait3A_880] : memref<4x8x512xf32, #tpu.memory_space<hbm>> -> memref<1x1x512xf32, #tpu.memory_space<hbm>>
      %dma_wait3A_882 = tpu.memref_squeeze %dma_wait3A_881 : memref<1x1x512xf32, #tpu.memory_space<hbm>> -> memref<512xf32, #tpu.memory_space<hbm>>
      %dma_wait3A_883 = arith.constant 0 : i32
      %dma_wait3A_884 = tpu.memref_slice %arg5[%select_n3A, %select_n3A_30, %dma_wait3A_883] : memref<4x8x512xf32, #tpu.memory_space<hbm>> -> memref<1x1x512xf32, #tpu.memory_space<hbm>>
      %dma_wait3A_885 = tpu.memref_squeeze %dma_wait3A_884 : memref<1x1x512xf32, #tpu.memory_space<hbm>> -> memref<512xf32, #tpu.memory_space<hbm>>
      tpu.wait_dma2 semaphore(%run_scoped3A : memref<!tpu.dma_semaphore, #tpu.memory_space<semaphore_mem>>) src(%arg12 : memref<512xf32, #tpu.memory_space<vmem>>) dst(%dma_wait3A_885 : memref<512xf32, #tpu.memory_space<hbm>>)
      tpu.yield
    }) : () -> ()
    return
  }
}

module attributes {stable_mosaic.version = 14 : i64} {
  func.func @_tail_body(%arg0: memref<24x512xf32, #tpu.memory_space<vmem>>, %arg1: memref<24x512xf32, #tpu.memory_space<vmem>>, %arg2: memref<24x128xf32, #tpu.memory_space<vmem>>, %arg3: memref<4x8x512xf32, #tpu.memory_space<vmem>>, %arg4: memref<4x8x512xf32, #tpu.memory_space<vmem>>, %arg5: memref<4x8x16xf32, #tpu.memory_space<vmem>>, %arg6: memref<16x16xf32, #tpu.memory_space<vmem>>, %arg7: memref<1x1xf32, #tpu.memory_space<vmem>>) attributes {dimension_semantics = [], scalar_prefetch = 0 : i64, scratch_operands = 0 : i64, tpu.core_type = #tpu.core_type<tc>} {
    %get3A = arith.constant 0 : index
    %get3A_0 = arith.constant 0 : index
    %get3A_1 = arith.constant 0 : index
    %get3A_2 = vector.load %arg3[%get3A, %get3A_0, %get3A_1] : memref<4x8x512xf32, #tpu.memory_space<vmem>>, vector<1x8x512xf32>
    %get3A_3 = vector.shape_cast %get3A_2 : vector<1x8x512xf32> to vector<8x512xf32>
    %get3A_4 = arith.constant 0 : index
    %get3A_5 = arith.constant 0 : index
    %get3A_6 = arith.constant 0 : index
    %get3A_7 = vector.load %arg4[%get3A_4, %get3A_5, %get3A_6] : memref<4x8x512xf32, #tpu.memory_space<vmem>>, vector<1x8x512xf32>
    %get3A_8 = vector.shape_cast %get3A_7 : vector<1x8x512xf32> to vector<8x512xf32>
    %get3A_9 = arith.constant 0 : index
    %get3A_10 = arith.constant 0 : index
    %get3A_11 = arith.constant 0 : index
    %get3A_12 = vector.load %arg5[%get3A_9, %get3A_10, %get3A_11] : memref<4x8x16xf32, #tpu.memory_space<vmem>>, vector<1x8x16xf32>
    %get3A_13 = vector.shape_cast %get3A_12 : vector<1x8x16xf32> to vector<8x16xf32>
    %get3A_14 = arith.constant 1 : index
    %get3A_15 = arith.constant 0 : index
    %get3A_16 = arith.constant 0 : index
    %get3A_17 = vector.load %arg3[%get3A_14, %get3A_15, %get3A_16] : memref<4x8x512xf32, #tpu.memory_space<vmem>>, vector<1x8x512xf32>
    %get3A_18 = vector.shape_cast %get3A_17 : vector<1x8x512xf32> to vector<8x512xf32>
    %add3A = arith.addf %get3A_3, %get3A_18 : vector<8x512xf32>
    %get3A_19 = arith.constant 1 : index
    %get3A_20 = arith.constant 0 : index
    %get3A_21 = arith.constant 0 : index
    %get3A_22 = vector.load %arg4[%get3A_19, %get3A_20, %get3A_21] : memref<4x8x512xf32, #tpu.memory_space<vmem>>, vector<1x8x512xf32>
    %get3A_23 = vector.shape_cast %get3A_22 : vector<1x8x512xf32> to vector<8x512xf32>
    %add3A_24 = arith.addf %get3A_8, %get3A_23 : vector<8x512xf32>
    %get3A_25 = arith.constant 1 : index
    %get3A_26 = arith.constant 0 : index
    %get3A_27 = arith.constant 0 : index
    %get3A_28 = vector.load %arg5[%get3A_25, %get3A_26, %get3A_27] : memref<4x8x16xf32, #tpu.memory_space<vmem>>, vector<1x8x16xf32>
    %get3A_29 = vector.shape_cast %get3A_28 : vector<1x8x16xf32> to vector<8x16xf32>
    %add3A_30 = arith.addf %get3A_13, %get3A_29 : vector<8x16xf32>
    %get3A_31 = arith.constant 2 : index
    %get3A_32 = arith.constant 0 : index
    %get3A_33 = arith.constant 0 : index
    %get3A_34 = vector.load %arg3[%get3A_31, %get3A_32, %get3A_33] : memref<4x8x512xf32, #tpu.memory_space<vmem>>, vector<1x8x512xf32>
    %get3A_35 = vector.shape_cast %get3A_34 : vector<1x8x512xf32> to vector<8x512xf32>
    %add3A_36 = arith.addf %add3A, %get3A_35 : vector<8x512xf32>
    %get3A_37 = arith.constant 2 : index
    %get3A_38 = arith.constant 0 : index
    %get3A_39 = arith.constant 0 : index
    %get3A_40 = vector.load %arg4[%get3A_37, %get3A_38, %get3A_39] : memref<4x8x512xf32, #tpu.memory_space<vmem>>, vector<1x8x512xf32>
    %get3A_41 = vector.shape_cast %get3A_40 : vector<1x8x512xf32> to vector<8x512xf32>
    %add3A_42 = arith.addf %add3A_24, %get3A_41 : vector<8x512xf32>
    %get3A_43 = arith.constant 2 : index
    %get3A_44 = arith.constant 0 : index
    %get3A_45 = arith.constant 0 : index
    %get3A_46 = vector.load %arg5[%get3A_43, %get3A_44, %get3A_45] : memref<4x8x16xf32, #tpu.memory_space<vmem>>, vector<1x8x16xf32>
    %get3A_47 = vector.shape_cast %get3A_46 : vector<1x8x16xf32> to vector<8x16xf32>
    %add3A_48 = arith.addf %add3A_30, %get3A_47 : vector<8x16xf32>
    %get3A_49 = arith.constant 3 : index
    %get3A_50 = arith.constant 0 : index
    %get3A_51 = arith.constant 0 : index
    %get3A_52 = vector.load %arg3[%get3A_49, %get3A_50, %get3A_51] : memref<4x8x512xf32, #tpu.memory_space<vmem>>, vector<1x8x512xf32>
    %get3A_53 = vector.shape_cast %get3A_52 : vector<1x8x512xf32> to vector<8x512xf32>
    %add3A_54 = arith.addf %add3A_36, %get3A_53 : vector<8x512xf32>
    %get3A_55 = arith.constant 3 : index
    %get3A_56 = arith.constant 0 : index
    %get3A_57 = arith.constant 0 : index
    %get3A_58 = vector.load %arg4[%get3A_55, %get3A_56, %get3A_57] : memref<4x8x512xf32, #tpu.memory_space<vmem>>, vector<1x8x512xf32>
    %get3A_59 = vector.shape_cast %get3A_58 : vector<1x8x512xf32> to vector<8x512xf32>
    %add3A_60 = arith.addf %add3A_42, %get3A_59 : vector<8x512xf32>
    %get3A_61 = arith.constant 3 : index
    %get3A_62 = arith.constant 0 : index
    %get3A_63 = arith.constant 0 : index
    %get3A_64 = vector.load %arg5[%get3A_61, %get3A_62, %get3A_63] : memref<4x8x16xf32, #tpu.memory_space<vmem>>, vector<1x8x16xf32>
    %get3A_65 = vector.shape_cast %get3A_64 : vector<1x8x16xf32> to vector<8x16xf32>
    %add3A_66 = arith.addf %add3A_48, %get3A_65 : vector<8x16xf32>
    %get3A_67 = arith.constant 0 : index
    %get3A_68 = arith.constant 0 : index
    %get3A_69 = vector.load %arg0[%get3A_67, %get3A_68] : memref<24x512xf32, #tpu.memory_space<vmem>>, vector<24x512xf32>
    %concatenate3A = tpu.concatenate %get3A_69, %add3A_54 in 0 : vector<24x512xf32>, vector<8x512xf32> -> vector<32x512xf32>
    %get3A_70 = arith.constant 0 : index
    %get3A_71 = arith.constant 0 : index
    %get3A_72 = vector.load %arg1[%get3A_70, %get3A_71] : memref<24x512xf32, #tpu.memory_space<vmem>>, vector<24x512xf32>
    %concatenate3A_73 = tpu.concatenate %get3A_72, %add3A_60 in 0 : vector<24x512xf32>, vector<8x512xf32> -> vector<32x512xf32>
    %get3A_74 = arith.constant 0 : index
    %get3A_75 = arith.constant 0 : index
    %get3A_76 = vector.load %arg2[%get3A_74, %get3A_75] : memref<24x128xf32, #tpu.memory_space<vmem>>, vector<24x1xf32>
    %reduce_sum3A = arith.constant dense<0.000000e+00> : vector<8xf32>
    %reduce_sum3A_77 = vector.multi_reduction <add>, %add3A_66, %reduce_sum3A [1] : vector<8x16xf32> to vector<8xf32>
    %broadcast_in_dim3A = vector.shape_cast %reduce_sum3A_77 : vector<8xf32> to vector<8x1xf32>
    %concatenate3A_78 = tpu.concatenate %get3A_76, %broadcast_in_dim3A in 0 : vector<24x1xf32>, vector<8x1xf32> -> vector<32x1xf32>
    %sub3A = arith.constant 2.048000e+03 : f32
    %sub3A_79 = vector.broadcast %sub3A : f32 to vector<32x1xf32>
    %sub3A_80 = arith.subf %sub3A_79, %concatenate3A_78 : vector<32x1xf32>
    %max3A = arith.constant 1.000000e+00 : f32
    %max3A_81 = vector.broadcast %max3A : f32 to vector<32x1xf32>
    %max3A_82 = arith.maximumf %concatenate3A_78, %max3A_81 : vector<32x1xf32>
    %div3A = vector.broadcast %max3A_82 : vector<32x1xf32> to vector<32x512xf32>
    %div3A_83 = arith.divf %concatenate3A, %div3A : vector<32x512xf32>
    %sub3A_84 = arith.subf %concatenate3A_73, %concatenate3A : vector<32x512xf32>
    %max3A_85 = arith.constant 1.000000e+00 : f32
    %max3A_86 = vector.broadcast %max3A_85 : f32 to vector<32x1xf32>
    %max3A_87 = arith.maximumf %sub3A_80, %max3A_86 : vector<32x1xf32>
    %div3A_88 = vector.broadcast %max3A_87 : vector<32x1xf32> to vector<32x512xf32>
    %div3A_89 = arith.divf %sub3A_84, %div3A_88 : vector<32x512xf32>
    %gt3A = arith.constant 0.000000e+00 : f32
    %gt3A_90 = vector.broadcast %gt3A : f32 to vector<32x1xf32>
    %gt3A_91 = arith.cmpf ogt, %concatenate3A_78, %gt3A_90 : vector<32x1xf32>
    %convert_element_type3A = arith.extui %gt3A_91 : vector<32x1xi1> to vector<32x1xi32>
    %convert_element_type3A_92 = arith.sitofp %convert_element_type3A : vector<32x1xi32> to vector<32x1xf32>
    %reduce_sum3A_93 = vector.shape_cast %convert_element_type3A_92 : vector<32x1xf32> to vector<1x32x1xf32>
    %reduce_sum3A_94 = arith.constant dense<0.000000e+00> : vector<1xf32>
    %reduce_sum3A_95 = vector.multi_reduction <add>, %reduce_sum3A_93, %reduce_sum3A_94 [1, 2] : vector<1x32x1xf32> to vector<1xf32>
    %reduce_sum3A_96 = vector.shape_cast %reduce_sum3A_95 : vector<1xf32> to vector<1x1x1xf32>
    %reduce_sum3A_97 = vector.extract %reduce_sum3A_96[0, 0, 0] : f32 from vector<1x1x1xf32>
    %iota3A = tpu.iota {dimensions = array<i32: 0>} : vector<32x32xi32>
    %convert_element_type3A_98 = arith.sitofp %iota3A : vector<32x32xi32> to vector<32x32xf32>
    %iota3A_99 = tpu.iota {dimensions = array<i32: 1>} : vector<32x32xi32>
    %convert_element_type3A_100 = arith.sitofp %iota3A_99 : vector<32x32xi32> to vector<32x32xf32>
    %le3A = arith.cmpf ole, %convert_element_type3A_100, %convert_element_type3A_98 : vector<32x32xf32>
    %convert_element_type3A_101 = arith.extui %le3A : vector<32x32xi1> to vector<32x32xi32>
    %convert_element_type3A_102 = arith.sitofp %convert_element_type3A_101 : vector<32x32xi32> to vector<32x32xf32>
    %dot_general3A = arith.constant dense<0.000000e+00> : vector<32x1xf32>
    %dot_general3A_103 = tpu.matmul %convert_element_type3A_102, %convert_element_type3A_92, %dot_general3A {dimension_numbers = #tpu.dot_dimension_numbers<[1], [0], [0], [1], [0, 0, 1, 1], [], []>, transpose_lhs_hint = false} : vector<32x32xf32>, vector<32x1xf32>, vector<32x1xf32> -> vector<32x1xf32>
    %sub3A_104 = arith.constant 1.000000e+00 : f32
    %sub3A_105 = vector.broadcast %sub3A_104 : f32 to vector<32x1xf32>
    %sub3A_106 = arith.subf %dot_general3A_103, %sub3A_105 : vector<32x1xf32>
    %eq3A = vector.broadcast %sub3A_106 : vector<32x1xf32> to vector<32x32xf32>
    %eq3A_107 = arith.cmpf oeq, %eq3A, %convert_element_type3A_100 : vector<32x32xf32>
    %convert_element_type3A_108 = arith.extui %eq3A_107 : vector<32x32xi1> to vector<32x32xi32>
    %convert_element_type3A_109 = arith.sitofp %convert_element_type3A_108 : vector<32x32xi32> to vector<32x32xf32>
    %mul3A = vector.broadcast %convert_element_type3A_92 : vector<32x1xf32> to vector<32x32xf32>
    %mul3A_110 = arith.mulf %convert_element_type3A_109, %mul3A : vector<32x32xf32>
    %iota3A_111 = tpu.iota {dimensions = array<i32: 0>} : vector<32x1xi32>
    %convert_element_type3A_112 = arith.sitofp %iota3A_111 : vector<32x1xi32> to vector<32x1xf32>
    %transpose3A = tpu.transpose %mul3A_110, [1, 0] : vector<32x32xf32> -> vector<32x32xf32>
    %dot_general3A_113 = arith.constant dense<0.000000e+00> : vector<32x1xf32>
    %dot_general3A_114 = tpu.matmul %transpose3A, %convert_element_type3A_112, %dot_general3A_113 {dimension_numbers = #tpu.dot_dimension_numbers<[1], [0], [0], [1], [0, 0, 1, 1], [], []>, transpose_lhs_hint = false} : vector<32x32xf32>, vector<32x1xf32>, vector<32x1xf32> -> vector<32x1xf32>
    %iota3A_115 = tpu.iota {dimensions = array<i32: 0>} : vector<16x1xi32>
    %convert_element_type3A_116 = arith.sitofp %iota3A_115 : vector<16x1xi32> to vector<16x1xf32>
    %sub3A_117 = arith.constant 1.700000e+01 : f32
    %sub3A_118 = arith.subf %reduce_sum3A_97, %sub3A_117 : f32
    %eq3A_119 = vector.broadcast %sub3A_118 : f32 to vector<16x1xf32>
    %eq3A_120 = arith.cmpf oeq, %convert_element_type3A_116, %eq3A_119 : vector<16x1xf32>
    %convert_element_type3A_121 = arith.extui %eq3A_120 : vector<16x1xi1> to vector<16x1xi32>
    %convert_element_type3A_122 = arith.sitofp %convert_element_type3A_121 : vector<16x1xi32> to vector<16x1xf32>
    %get3A_123 = arith.constant 0 : index
    %get3A_124 = arith.constant 0 : index
    %get3A_125 = vector.load %arg6[%get3A_123, %get3A_124] : memref<16x16xf32, #tpu.memory_space<vmem>>, vector<16x16xf32>
    %dot_general3A_126 = arith.constant dense<0.000000e+00> : vector<16x1xf32>
    %dot_general3A_127 = tpu.matmul %get3A_125, %convert_element_type3A_122, %dot_general3A_126 {dimension_numbers = #tpu.dot_dimension_numbers<[1], [0], [0], [1], [0, 0, 1, 1], [], []>, transpose_lhs_hint = false} : vector<16x16xf32>, vector<16x1xf32>, vector<16x1xf32> -> vector<16x1xf32>
    %gt3A_128 = arith.constant 1.600000e+01 : f32
    %gt3A_129 = arith.cmpf ogt, %reduce_sum3A_97, %gt3A_128 : f32
    %select_n3A = arith.select %gt3A_129, %dot_general3A_127, %convert_element_type3A_116 : vector<16x1xf32>
    %min3A = arith.constant 1.600000e+01 : f32
    %min3A_130 = arith.minimumf %reduce_sum3A_97, %min3A : f32
    %iota3A_131 = tpu.iota {dimensions = array<i32: 1>} : vector<16x32xi32>
    %convert_element_type3A_132 = arith.sitofp %iota3A_131 : vector<16x32xi32> to vector<16x32xf32>
    %eq3A_133 = vector.broadcast %select_n3A : vector<16x1xf32> to vector<16x32xf32>
    %eq3A_134 = arith.cmpf oeq, %eq3A_133, %convert_element_type3A_132 : vector<16x32xf32>
    %convert_element_type3A_135 = arith.extui %eq3A_134 : vector<16x32xi1> to vector<16x32xi32>
    %convert_element_type3A_136 = arith.sitofp %convert_element_type3A_135 : vector<16x32xi32> to vector<16x32xf32>
    %dot_general3A_137 = arith.constant dense<0.000000e+00> : vector<16x1xf32>
    %dot_general3A_138 = tpu.matmul %convert_element_type3A_136, %dot_general3A_114, %dot_general3A_137 {dimension_numbers = #tpu.dot_dimension_numbers<[1], [0], [0], [1], [0, 0, 1, 1], [], []>, transpose_lhs_hint = false} : vector<16x32xf32>, vector<32x1xf32>, vector<16x1xf32> -> vector<16x1xf32>
    %lt3A = vector.broadcast %min3A_130 : f32 to vector<16x1xf32>
    %lt3A_139 = arith.cmpf olt, %convert_element_type3A_116, %lt3A : vector<16x1xf32>
    %convert_element_type3A_140 = arith.extui %lt3A_139 : vector<16x1xi1> to vector<16x1xi32>
    %convert_element_type3A_141 = arith.sitofp %convert_element_type3A_140 : vector<16x1xi32> to vector<16x1xf32>
    %eq3A_142 = vector.broadcast %dot_general3A_138 : vector<16x1xf32> to vector<16x32xf32>
    %eq3A_143 = arith.cmpf oeq, %eq3A_142, %convert_element_type3A_132 : vector<16x32xf32>
    %convert_element_type3A_144 = arith.extui %eq3A_143 : vector<16x32xi1> to vector<16x32xi32>
    %convert_element_type3A_145 = arith.sitofp %convert_element_type3A_144 : vector<16x32xi32> to vector<16x32xf32>
    %mul3A_146 = vector.broadcast %convert_element_type3A_141 : vector<16x1xf32> to vector<16x32xf32>
    %mul3A_147 = arith.mulf %convert_element_type3A_145, %mul3A_146 : vector<16x32xf32>
    %dot_general3A_148 = arith.constant dense<0.000000e+00> : vector<16x512xf32>
    %dot_general3A_149 = tpu.matmul %mul3A_147, %div3A_89, %dot_general3A_148 {dimension_numbers = #tpu.dot_dimension_numbers<[1], [0], [0], [1], [0, 0, 1, 1], [], []>, transpose_lhs_hint = false} : vector<16x32xf32>, vector<32x512xf32>, vector<16x512xf32> -> vector<16x512xf32>
    %dot_general3A_150 = arith.constant dense<0.000000e+00> : vector<16x512xf32>
    %dot_general3A_151 = tpu.matmul %mul3A_147, %div3A_83, %dot_general3A_150 {dimension_numbers = #tpu.dot_dimension_numbers<[1], [0], [0], [1], [0, 0, 1, 1], [], []>, transpose_lhs_hint = false} : vector<16x32xf32>, vector<32x512xf32>, vector<16x512xf32> -> vector<16x512xf32>
    %mul3A_152 = arith.mulf %dot_general3A_149, %dot_general3A_149 : vector<16x512xf32>
    %reduce_sum3A_153 = arith.constant dense<0.000000e+00> : vector<16xf32>
    %reduce_sum3A_154 = vector.multi_reduction <add>, %mul3A_152, %reduce_sum3A_153 [1] : vector<16x512xf32> to vector<16xf32>
    %broadcast_in_dim3A_155 = vector.shape_cast %reduce_sum3A_154 : vector<16xf32> to vector<16x1xf32>
    %sqrt3A = math.sqrt %broadcast_in_dim3A_155 : vector<16x1xf32>
    %add3A_156 = arith.constant 9.99999993E-9 : f32
    %add3A_157 = vector.broadcast %add3A_156 : f32 to vector<16x1xf32>
    %add3A_158 = arith.addf %sqrt3A, %add3A_157 : vector<16x1xf32>
    %div3A_159 = vector.broadcast %add3A_158 : vector<16x1xf32> to vector<16x512xf32>
    %div3A_160 = arith.divf %dot_general3A_149, %div3A_159 : vector<16x512xf32>
    %mul3A_161 = arith.mulf %dot_general3A_151, %dot_general3A_151 : vector<16x512xf32>
    %reduce_sum3A_162 = arith.constant dense<0.000000e+00> : vector<16xf32>
    %reduce_sum3A_163 = vector.multi_reduction <add>, %mul3A_161, %reduce_sum3A_162 [1] : vector<16x512xf32> to vector<16xf32>
    %broadcast_in_dim3A_164 = vector.shape_cast %reduce_sum3A_163 : vector<16xf32> to vector<16x1xf32>
    %sqrt3A_165 = math.sqrt %broadcast_in_dim3A_164 : vector<16x1xf32>
    %add3A_166 = arith.constant 9.99999993E-9 : f32
    %add3A_167 = vector.broadcast %add3A_166 : f32 to vector<16x1xf32>
    %add3A_168 = arith.addf %sqrt3A_165, %add3A_167 : vector<16x1xf32>
    %div3A_169 = vector.broadcast %add3A_168 : vector<16x1xf32> to vector<16x512xf32>
    %div3A_170 = arith.divf %dot_general3A_151, %div3A_169 : vector<16x512xf32>
    %dot_general3A_171 = arith.constant dense<0.000000e+00> : vector<16x16xf32>
    %dot_general3A_172 = tpu.matmul %div3A_160, %div3A_170, %dot_general3A_171 {dimension_numbers = #tpu.dot_dimension_numbers<[1], [1], [0], [0], [0, 0, 1, 0], [], []>, transpose_lhs_hint = false} : vector<16x512xf32>, vector<16x512xf32>, vector<16x16xf32> -> vector<16x16xf32>
    %div3A_173 = arith.constant 1.500000e-01 : f32
    %div3A_174 = vector.broadcast %div3A_173 : f32 to vector<16x16xf32>
    %div3A_175 = arith.divf %dot_general3A_172, %div3A_174 : vector<16x16xf32>
    %iota3A_176 = tpu.iota {dimensions = array<i32: 0>} : vector<16x16xi32>
    %convert_element_type3A_177 = arith.sitofp %iota3A_176 : vector<16x16xi32> to vector<16x16xf32>
    %iota3A_178 = tpu.iota {dimensions = array<i32: 1>} : vector<16x16xi32>
    %convert_element_type3A_179 = arith.sitofp %iota3A_178 : vector<16x16xi32> to vector<16x16xf32>
    %lt3A_180 = vector.broadcast %min3A_130 : f32 to vector<16x16xf32>
    %lt3A_181 = arith.cmpf olt, %convert_element_type3A_179, %lt3A_180 : vector<16x16xf32>
    %convert_element_type3A_182 = arith.extui %lt3A_181 : vector<16x16xi1> to vector<16x16xi32>
    %convert_element_type3A_183 = arith.sitofp %convert_element_type3A_182 : vector<16x16xi32> to vector<16x16xf32>
    %gt3A_184 = arith.constant 0.000000e+00 : f32
    %gt3A_185 = vector.broadcast %gt3A_184 : f32 to vector<16x16xf32>
    %gt3A_186 = arith.cmpf ogt, %convert_element_type3A_183, %gt3A_185 : vector<16x16xf32>
    %jit3A = arith.constant -1.000000e+30 : f32
    %broadcast_in_dim3A_187 = vector.broadcast %jit3A : f32 to vector<16x16xf32>
    %select_n3A_188 = arith.select %gt3A_186, %div3A_175, %broadcast_in_dim3A_187 : vector<16x16xi1>, vector<16x16xf32>
    %reduce_max3A = arith.constant dense<0xFF800000> : vector<16xf32>
    %reduce_max3A_189 = vector.multi_reduction <maximumf>, %select_n3A_188, %reduce_max3A [1] : vector<16x16xf32> to vector<16xf32>
    %broadcast_in_dim3A_190 = vector.shape_cast %reduce_max3A_189 : vector<16xf32> to vector<16x1xf32>
    %sub3A_191 = vector.broadcast %broadcast_in_dim3A_190 : vector<16x1xf32> to vector<16x16xf32>
    %sub3A_192 = arith.subf %select_n3A_188, %sub3A_191 : vector<16x16xf32>
    %exp3A = math.exp %sub3A_192 : vector<16x16xf32>
    %mul3A_193 = arith.mulf %exp3A, %convert_element_type3A_183 : vector<16x16xf32>
    %reduce_sum3A_194 = arith.constant dense<0.000000e+00> : vector<16xf32>
    %reduce_sum3A_195 = vector.multi_reduction <add>, %mul3A_193, %reduce_sum3A_194 [1] : vector<16x16xf32> to vector<16xf32>
    %broadcast_in_dim3A_196 = vector.shape_cast %reduce_sum3A_195 : vector<16xf32> to vector<16x1xf32>
    %log3A = math.log %broadcast_in_dim3A_196 : vector<16x1xf32>
    %add3A_197 = arith.addf %log3A, %broadcast_in_dim3A_190 : vector<16x1xf32>
    %eq3A_198 = arith.cmpf oeq, %convert_element_type3A_177, %convert_element_type3A_179 : vector<16x16xf32>
    %convert_element_type3A_199 = arith.extui %eq3A_198 : vector<16x16xi1> to vector<16x16xi32>
    %convert_element_type3A_200 = arith.sitofp %convert_element_type3A_199 : vector<16x16xi32> to vector<16x16xf32>
    %mul3A_201 = arith.mulf %div3A_175, %convert_element_type3A_200 : vector<16x16xf32>
    %mul3A_202 = arith.mulf %mul3A_201, %convert_element_type3A_183 : vector<16x16xf32>
    %reduce_sum3A_203 = arith.constant dense<0.000000e+00> : vector<16xf32>
    %reduce_sum3A_204 = vector.multi_reduction <add>, %mul3A_202, %reduce_sum3A_203 [1] : vector<16x16xf32> to vector<16xf32>
    %broadcast_in_dim3A_205 = vector.shape_cast %reduce_sum3A_204 : vector<16xf32> to vector<16x1xf32>
    %sub3A_206 = arith.subf %broadcast_in_dim3A_205, %add3A_197 : vector<16x1xf32>
    %mul3A_207 = arith.mulf %sub3A_206, %convert_element_type3A_141 : vector<16x1xf32>
    %reduce_sum3A_208 = arith.constant dense<0.000000e+00> : vector<1xf32>
    %reduce_sum3A_209 = vector.multi_reduction <add>, %mul3A_207, %reduce_sum3A_208 [0] : vector<16x1xf32> to vector<1xf32>
    %broadcast_in_dim3A_210 = vector.shape_cast %reduce_sum3A_209 : vector<1xf32> to vector<1x1xf32>
    %neg3A = arith.constant 0.000000e+00 : f32
    %neg3A_211 = vector.broadcast %neg3A : f32 to vector<1x1xf32>
    %neg3A_212 = arith.subf %neg3A_211, %broadcast_in_dim3A_210 : vector<1x1xf32>
    %div3A_213 = vector.broadcast %min3A_130 : f32 to vector<1x1xf32>
    %div3A_214 = arith.divf %neg3A_212, %div3A_213 : vector<1x1xf32>
    %swap3A = arith.constant 0 : index
    %swap3A_215 = arith.constant 0 : index
    %swap3A_216 = vector.load %arg7[%swap3A, %swap3A_215] : memref<1x1xf32, #tpu.memory_space<vmem>>, vector<1x1xf32>
    tpu.vector_store %arg7[%swap3A, %swap3A_215], %div3A_214 {strides = array<i32>} : memref<1x1xf32, #tpu.memory_space<vmem>>, vector<1x1xf32>,
    return
  }
}

module attributes {stable_mosaic.version = 14 : i64} {
  func.func @_pool_body(%arg0: i32, %arg1: memref<2x1x2048xi32, #tpu.memory_space<vmem>>, %arg2: memref<2x1024x512xf32, #tpu.memory_space<vmem>>, %arg3: memref<2x1024x512xf32, #tpu.memory_space<vmem>>, %arg4: memref<2x1x512xf32, #tpu.memory_space<vmem>>, %arg5: memref<2x1x512xf32, #tpu.memory_space<vmem>>, %arg6: memref<2x1x128xf32, #tpu.memory_space<vmem>>) attributes {dimension_semantics = [#tpu.dimension_semantics<parallel>], iteration_bounds = array<i64: 12>, scalar_prefetch = 0 : i64, scratch_operands = 0 : i64, tpu.core_type = #tpu.core_type<tc>, window_params = [{transform_indices = @transform_0, window_bounds = array<i64: 2, 1, 2048>}, {transform_indices = @transform_1, window_bounds = array<i64: 2, 1024, 512>}, {transform_indices = @transform_2, window_bounds = array<i64: 2, 1024, 512>}, {transform_indices = @transform_3, window_bounds = array<i64: 2, 1, 512>}, {transform_indices = @transform_4, window_bounds = array<i64: 2, 1, 512>}, {transform_indices = @transform_5, window_bounds = array<i64: 2, 1, 128>}]} {
    %get3A = arith.constant 0 : index
    %get3A_0 = arith.constant 0 : index
    %get3A_1 = arith.constant 0 : index
    %get3A_2 = vector.load %arg1[%get3A, %get3A_0, %get3A_1] : memref<2x1x2048xi32, #tpu.memory_space<vmem>>, vector<1x1x2048xi32>
    %get3A_3 = vector.shape_cast %get3A_2 : vector<1x1x2048xi32> to vector<1x2048xi32>
    %eq3A = arith.constant 0 : i32
    %eq3A_4 = vector.broadcast %eq3A : i32 to vector<1x2048xi32>
    %eq3A_5 = arith.cmpi eq, %get3A_3, %eq3A_4 : vector<1x2048xi32>
    %convert_element_type3A = arith.extui %eq3A_5 : vector<1x2048xi1> to vector<1x2048xi32>
    %convert_element_type3A_6 = arith.sitofp %convert_element_type3A : vector<1x2048xi32> to vector<1x2048xf32>
    %slice3A = vector.extract_strided_slice %convert_element_type3A_6 {offsets = [0, 0], sizes = [1, 1024], strides = [1, 1]} : vector<1x2048xf32> to vector<1x1024xf32>
    %broadcast_in_dim3A = arith.constant 1.000000e+00 : f32
    %broadcast_in_dim3A_7 = vector.broadcast %broadcast_in_dim3A : f32 to vector<1x1024xf32>
    %concatenate3A = tpu.concatenate %slice3A, %broadcast_in_dim3A_7 in 0 : vector<1x1024xf32>, vector<1x1024xf32> -> vector<2x1024xf32>
    %slice3A_8 = vector.extract_strided_slice %convert_element_type3A_6 {offsets = [0, 1024], sizes = [1, 1024], strides = [1, 1]} : vector<1x2048xf32> to vector<1x1024xf32>
    %broadcast_in_dim3A_9 = arith.constant 1.000000e+00 : f32
    %broadcast_in_dim3A_10 = vector.broadcast %broadcast_in_dim3A_9 : f32 to vector<1x1024xf32>
    %concatenate3A_11 = tpu.concatenate %slice3A_8, %broadcast_in_dim3A_10 in 0 : vector<1x1024xf32>, vector<1x1024xf32> -> vector<2x1024xf32>
    %get3A_12 = arith.constant 0 : index
    %get3A_13 = arith.constant 0 : index
    %get3A_14 = arith.constant 0 : index
    %get3A_15 = vector.load %arg2[%get3A_12, %get3A_13, %get3A_14] : memref<2x1024x512xf32, #tpu.memory_space<vmem>>, vector<1x1024x512xf32>
    %get3A_16 = vector.shape_cast %get3A_15 : vector<1x1024x512xf32> to vector<1024x512xf32>
    %dot_general3A = arith.constant dense<0.000000e+00> : vector<2x512xf32>
    %dot_general3A_17 = tpu.matmul %concatenate3A, %get3A_16, %dot_general3A {dimension_numbers = #tpu.dot_dimension_numbers<[1], [0], [0], [1], [0, 0, 1, 1], [], []>, transpose_lhs_hint = false} : vector<2x1024xf32>, vector<1024x512xf32>, vector<2x512xf32> -> vector<2x512xf32>
    %get3A_18 = arith.constant 0 : index
    %get3A_19 = arith.constant 0 : index
    %get3A_20 = arith.constant 0 : index
    %get3A_21 = vector.load %arg3[%get3A_18, %get3A_19, %get3A_20] : memref<2x1024x512xf32, #tpu.memory_space<vmem>>, vector<1x1024x512xf32>
    %get3A_22 = vector.shape_cast %get3A_21 : vector<1x1024x512xf32> to vector<1024x512xf32>
    %dot_general3A_23 = arith.constant dense<0.000000e+00> : vector<2x512xf32>
    %dot_general3A_24 = tpu.matmul %concatenate3A_11, %get3A_22, %dot_general3A_23 {dimension_numbers = #tpu.dot_dimension_numbers<[1], [0], [0], [1], [0, 0, 1, 1], [], []>, transpose_lhs_hint = false} : vector<2x1024xf32>, vector<1024x512xf32>, vector<2x512xf32> -> vector<2x512xf32>
    %add3A = arith.addf %dot_general3A_17, %dot_general3A_24 : vector<2x512xf32>
    %slice3A_25 = vector.extract_strided_slice %add3A {offsets = [0, 0], sizes = [1, 512], strides = [1, 1]} : vector<2x512xf32> to vector<1x512xf32>
    %swap3A = arith.constant 0 : index
    %swap3A_26 = arith.constant 0 : index
    %swap3A_27 = arith.constant 0 : index
    %swap3A_28 = vector.load %arg4[%swap3A, %swap3A_26, %swap3A_27] : memref<2x1x512xf32, #tpu.memory_space<vmem>>, vector<1x1x512xf32>
    %swap3A_29 = vector.shape_cast %swap3A_28 : vector<1x1x512xf32> to vector<1x512xf32>
    %swap3A_30 = vector.shape_cast %slice3A_25 : vector<1x512xf32> to vector<1x1x512xf32>
    tpu.vector_store %arg4[%swap3A, %swap3A_26, %swap3A_27], %swap3A_30 {strides = array<i32>} : memref<2x1x512xf32, #tpu.memory_space<vmem>>, vector<1x1x512xf32>,
    %slice3A_31 = vector.extract_strided_slice %add3A {offsets = [1, 0], sizes = [1, 512], strides = [1, 1]} : vector<2x512xf32> to vector<1x512xf32>
    %swap3A_32 = arith.constant 0 : index
    %swap3A_33 = arith.constant 0 : index
    %swap3A_34 = arith.constant 0 : index
    %swap3A_35 = vector.load %arg5[%swap3A_32, %swap3A_33, %swap3A_34] : memref<2x1x512xf32, #tpu.memory_space<vmem>>, vector<1x1x512xf32>
    %swap3A_36 = vector.shape_cast %swap3A_35 : vector<1x1x512xf32> to vector<1x512xf32>
    %swap3A_37 = vector.shape_cast %slice3A_31 : vector<1x512xf32> to vector<1x1x512xf32>
    tpu.vector_store %arg5[%swap3A_32, %swap3A_33, %swap3A_34], %swap3A_37 {strides = array<i32>} : memref<2x1x512xf32, #tpu.memory_space<vmem>>, vector<1x1x512xf32>,
    %reduce_sum3A = arith.constant dense<0.000000e+00> : vector<1xf32>
    %reduce_sum3A_38 = vector.multi_reduction <add>, %convert_element_type3A_6, %reduce_sum3A [1] : vector<1x2048xf32> to vector<1xf32>
    %broadcast_in_dim3A_39 = vector.shape_cast %reduce_sum3A_38 : vector<1xf32> to vector<1x1xf32>
    %broadcast_in_dim3A_40 = vector.shape_cast %broadcast_in_dim3A_39 : vector<1x1xf32> to vector<1x1xf32>
    %broadcast_in_dim3A_41 = vector.broadcast %broadcast_in_dim3A_40 : vector<1x1xf32> to vector<1x128xf32>
    %swap3A_42 = arith.constant 0 : index
    %swap3A_43 = arith.constant 0 : index
    %swap3A_44 = arith.constant 0 : index
    %swap3A_45 = vector.load %arg6[%swap3A_42, %swap3A_43, %swap3A_44] : memref<2x1x128xf32, #tpu.memory_space<vmem>>, vector<1x1x128xf32>
    %swap3A_46 = vector.shape_cast %swap3A_45 : vector<1x1x128xf32> to vector<1x128xf32>
    %swap3A_47 = vector.shape_cast %broadcast_in_dim3A_41 : vector<1x128xf32> to vector<1x1x128xf32>
    tpu.vector_store %arg6[%swap3A_42, %swap3A_43, %swap3A_44], %swap3A_47 {strides = array<i32>} : memref<2x1x128xf32, #tpu.memory_space<vmem>>, vector<1x1x128xf32>,
    %get3A_48 = arith.constant 1 : index
    %get3A_49 = arith.constant 0 : index
    %get3A_50 = arith.constant 0 : index
    %get3A_51 = vector.load %arg1[%get3A_48, %get3A_49, %get3A_50] : memref<2x1x2048xi32, #tpu.memory_space<vmem>>, vector<1x1x2048xi32>
    %get3A_52 = vector.shape_cast %get3A_51 : vector<1x1x2048xi32> to vector<1x2048xi32>
    %eq3A_53 = arith.constant 0 : i32
    %eq3A_54 = vector.broadcast %eq3A_53 : i32 to vector<1x2048xi32>
    %eq3A_55 = arith.cmpi eq, %get3A_52, %eq3A_54 : vector<1x2048xi32>
    %convert_element_type3A_56 = arith.extui %eq3A_55 : vector<1x2048xi1> to vector<1x2048xi32>
    %convert_element_type3A_57 = arith.sitofp %convert_element_type3A_56 : vector<1x2048xi32> to vector<1x2048xf32>
    %slice3A_58 = vector.extract_strided_slice %convert_element_type3A_57 {offsets = [0, 0], sizes = [1, 1024], strides = [1, 1]} : vector<1x2048xf32> to vector<1x1024xf32>
    %broadcast_in_dim3A_59 = arith.constant 1.000000e+00 : f32
    %broadcast_in_dim3A_60 = vector.broadcast %broadcast_in_dim3A_59 : f32 to vector<1x1024xf32>
    %concatenate3A_61 = tpu.concatenate %slice3A_58, %broadcast_in_dim3A_60 in 0 : vector<1x1024xf32>, vector<1x1024xf32> -> vector<2x1024xf32>
    %slice3A_62 = vector.extract_strided_slice %convert_element_type3A_57 {offsets = [0, 1024], sizes = [1, 1024], strides = [1, 1]} : vector<1x2048xf32> to vector<1x1024xf32>
    %broadcast_in_dim3A_63 = arith.constant 1.000000e+00 : f32
    %broadcast_in_dim3A_64 = vector.broadcast %broadcast_in_dim3A_63 : f32 to vector<1x1024xf32>
    %concatenate3A_65 = tpu.concatenate %slice3A_62, %broadcast_in_dim3A_64 in 0 : vector<1x1024xf32>, vector<1x1024xf32> -> vector<2x1024xf32>
    %get3A_66 = arith.constant 1 : index
    %get3A_67 = arith.constant 0 : index
    %get3A_68 = arith.constant 0 : index
    %get3A_69 = vector.load %arg2[%get3A_66, %get3A_67, %get3A_68] : memref<2x1024x512xf32, #tpu.memory_space<vmem>>, vector<1x1024x512xf32>
    %get3A_70 = vector.shape_cast %get3A_69 : vector<1x1024x512xf32> to vector<1024x512xf32>
    %dot_general3A_71 = arith.constant dense<0.000000e+00> : vector<2x512xf32>
    %dot_general3A_72 = tpu.matmul %concatenate3A_61, %get3A_70, %dot_general3A_71 {dimension_numbers = #tpu.dot_dimension_numbers<[1], [0], [0], [1], [0, 0, 1, 1], [], []>, transpose_lhs_hint = false} : vector<2x1024xf32>, vector<1024x512xf32>, vector<2x512xf32> -> vector<2x512xf32>
    %get3A_73 = arith.constant 1 : index
    %get3A_74 = arith.constant 0 : index
    %get3A_75 = arith.constant 0 : index
    %get3A_76 = vector.load %arg3[%get3A_73, %get3A_74, %get3A_75] : memref<2x1024x512xf32, #tpu.memory_space<vmem>>, vector<1x1024x512xf32>
    %get3A_77 = vector.shape_cast %get3A_76 : vector<1x1024x512xf32> to vector<1024x512xf32>
    %dot_general3A_78 = arith.constant dense<0.000000e+00> : vector<2x512xf32>
    %dot_general3A_79 = tpu.matmul %concatenate3A_65, %get3A_77, %dot_general3A_78 {dimension_numbers = #tpu.dot_dimension_numbers<[1], [0], [0], [1], [0, 0, 1, 1], [], []>, transpose_lhs_hint = false} : vector<2x1024xf32>, vector<1024x512xf32>, vector<2x512xf32> -> vector<2x512xf32>
    %add3A_80 = arith.addf %dot_general3A_72, %dot_general3A_79 : vector<2x512xf32>
    %slice3A_81 = vector.extract_strided_slice %add3A_80 {offsets = [0, 0], sizes = [1, 512], strides = [1, 1]} : vector<2x512xf32> to vector<1x512xf32>
    %swap3A_82 = arith.constant 1 : index
    %swap3A_83 = arith.constant 0 : index
    %swap3A_84 = arith.constant 0 : index
    %swap3A_85 = vector.load %arg4[%swap3A_82, %swap3A_83, %swap3A_84] : memref<2x1x512xf32, #tpu.memory_space<vmem>>, vector<1x1x512xf32>
    %swap3A_86 = vector.shape_cast %swap3A_85 : vector<1x1x512xf32> to vector<1x512xf32>
    %swap3A_87 = vector.shape_cast %slice3A_81 : vector<1x512xf32> to vector<1x1x512xf32>
    tpu.vector_store %arg4[%swap3A_82, %swap3A_83, %swap3A_84], %swap3A_87 {strides = array<i32>} : memref<2x1x512xf32, #tpu.memory_space<vmem>>, vector<1x1x512xf32>,
    %slice3A_88 = vector.extract_strided_slice %add3A_80 {offsets = [1, 0], sizes = [1, 512], strides = [1, 1]} : vector<2x512xf32> to vector<1x512xf32>
    %swap3A_89 = arith.constant 1 : index
    %swap3A_90 = arith.constant 0 : index
    %swap3A_91 = arith.constant 0 : index
    %swap3A_92 = vector.load %arg5[%swap3A_89, %swap3A_90, %swap3A_91] : memref<2x1x512xf32, #tpu.memory_space<vmem>>, vector<1x1x512xf32>
    %swap3A_93 = vector.shape_cast %swap3A_92 : vector<1x1x512xf32> to vector<1x512xf32>
    %swap3A_94 = vector.shape_cast %slice3A_88 : vector<1x512xf32> to vector<1x1x512xf32>
    tpu.vector_store %arg5[%swap3A_89, %swap3A_90, %swap3A_91], %swap3A_94 {strides = array<i32>} : memref<2x1x512xf32, #tpu.memory_space<vmem>>, vector<1x1x512xf32>,
    %reduce_sum3A_95 = arith.constant dense<0.000000e+00> : vector<1xf32>
    %reduce_sum3A_96 = vector.multi_reduction <add>, %convert_element_type3A_57, %reduce_sum3A_95 [1] : vector<1x2048xf32> to vector<1xf32>
    %broadcast_in_dim3A_97 = vector.shape_cast %reduce_sum3A_96 : vector<1xf32> to vector<1x1xf32>
    %broadcast_in_dim3A_98 = vector.shape_cast %broadcast_in_dim3A_97 : vector<1x1xf32> to vector<1x1xf32>
    %broadcast_in_dim3A_99 = vector.broadcast %broadcast_in_dim3A_98 : vector<1x1xf32> to vector<1x128xf32>
    %swap3A_100 = arith.constant 1 : index
    %swap3A_101 = arith.constant 0 : index
    %swap3A_102 = arith.constant 0 : index
    %swap3A_103 = vector.load %arg6[%swap3A_100, %swap3A_101, %swap3A_102] : memref<2x1x128xf32, #tpu.memory_space<vmem>>, vector<1x1x128xf32>
    %swap3A_104 = vector.shape_cast %swap3A_103 : vector<1x1x128xf32> to vector<1x128xf32>
    %swap3A_105 = vector.shape_cast %broadcast_in_dim3A_99 : vector<1x128xf32> to vector<1x1x128xf32>
    tpu.vector_store %arg6[%swap3A_100, %swap3A_101, %swap3A_102], %swap3A_105 {strides = array<i32>} : memref<2x1x128xf32, #tpu.memory_space<vmem>>, vector<1x1x128xf32>,
    return
  }
  func.func @transform_0(%arg0: i32) -> (i32, i32, i32) {
    %c0_i32 = arith.constant 0 : i32
    %c0_i32_0 = arith.constant 0 : i32
    %c0_i32_1 = arith.constant 0 : i32
    return %arg0, %c0_i32, %c0_i32_0 : i32, i32, i32
  }
  func.func @transform_1(%arg0: i32) -> (i32, i32, i32) {
    %c0_i32 = arith.constant 0 : i32
    %c0_i32_0 = arith.constant 0 : i32
    %c0_i32_1 = arith.constant 0 : i32
    return %arg0, %c0_i32, %c0_i32_0 : i32, i32, i32
  }
  func.func @transform_2(%arg0: i32) -> (i32, i32, i32) {
    %c1_i32 = arith.constant 1 : i32
    %c0_i32 = arith.constant 0 : i32
    %c0_i32_0 = arith.constant 0 : i32
    return %arg0, %c1_i32, %c0_i32 : i32, i32, i32
  }
  func.func @transform_3(%arg0: i32) -> (i32, i32, i32) {
    %c0_i32 = arith.constant 0 : i32
    %c0_i32_0 = arith.constant 0 : i32
    %c0_i32_1 = arith.constant 0 : i32
    return %arg0, %c0_i32, %c0_i32_0 : i32, i32, i32
  }
  func.func @transform_4(%arg0: i32) -> (i32, i32, i32) {
    %c0_i32 = arith.constant 0 : i32
    %c0_i32_0 = arith.constant 0 : i32
    %c0_i32_1 = arith.constant 0 : i32
    return %arg0, %c0_i32, %c0_i32_0 : i32, i32, i32
  }
  func.func @transform_5(%arg0: i32) -> (i32, i32, i32) {
    %c0_i32 = arith.constant 0 : i32
    %c0_i32_0 = arith.constant 0 : i32
    %c0_i32_1 = arith.constant 0 : i32
    return %arg0, %c0_i32, %c0_i32_0 : i32, i32, i32
  }
}

</mosaic_0001>

<sc_bundles>
// kernel: kernel.5.cloned.1.call-start
scs
__scs_entry_jumppad:
0x0: {  	(pc) =	sbr.rel $0x88, $3  }
0x1: {  	(tag) =	ssettag $0x0;
	lr =	simm.s32 $0x1  }
0x2: {  	[smem:$0x3F9F] =	sst lr;
	_ =	strace $0xD0000000  }
0x3: {  	_ = 	snop  }
0x4: {  	_ = 	snop  }
0x5: {  	_ = 	snop  }
0x6: {  	_ = 	snop  }
0x7: {  	_ = 	snop  }
__scs_overlays_trampoline_lowered:
0x8: {  	[smem:$0x3FAE] =	sst s0  }
0x9: {  	[smem:$0x3FAF] =	sst s1  }
0xa: {  	[smem:$0x3FB0] =	sst s2  }
0xb: {  	[smem:$0x3FB1] =	sst s3  }
0xc: {  	[smem:$0x3FB2] =	sst s4  }
0xd: {  	[smem:$0x3FB3] =	sst s5  }
0xe: {  	[smem:$0x3FB4] =	sst s6  }
0xf: {  	[smem:$0x3FB5] =	sst s7  }
0x10: {  	[smem:$0x3FB6] =	sst s8  }
0x11: {  	[smem:$0x3FB7] =	sst s9;
	s0 =	simm.s32 @!p0 $0x0  }
0x12: {  	s1 =	sld [smem:$0x3F9D];
	s0 =	simm.s32 @p0 $0x1  }
0x13: {  	[smem:$0x3FB8] =	sst s0;
	s0 =	simm.s32 @!p1 $0x0  }
0x14: {  	s2 =	sld [smem:$0x3F9C];
	s0 =	simm.s32 @p1 $0x1  }
0x15: {  	[smem:$0x3FB9] =	sst s0;
	s0 =	simm.s32 @!p2 $0x0  }
0x16: {  	s3 =	sld [smem:$0x3FDB];
	s0 =	simm.s32 @p2 $0x1  }
0x17: {  	s4 =	simm.s32 $0x1BF5;
	[smem:$0x3FBB] =	sst s0  }
0x18: {  	s0 =	sld [smem:$0x3F9E];
	_ =	swait.ge [sflag:s4], $0x0  }
0x19: {  	s7 =	sld [smem:$0x3F9F]  }
0x1a: {  	s8 =	sadd.s32 $0xFFFFE003, lr  }
0x1b: {  	s9 =	sadd.s32 $0xFFFFFEF7, lr;
	s5 =	simm.s32 $0xFFFFFFFF;
	p2 =	slt.u32 s8, $0xFFFFF086  }
0x1c: {  	p1 =	slt.u32 s9, $0xF7A;
	s5 =	simm.s32 @!p2 $0x0  }
0x1d: {  	s5 =	simm.s32 @p1 $0x1;
	p0 =	seq.s32 s7, s2  }
0x1e: {  	s7 =	smul.u32 @!p0 $0xF7A, s2;
	p2 =	seq.s32 @!p0 s5, $0x0  }
0x1f: {  	s9 =	smul.u32 $0xF7A, s1;
	s8 =	simm.s32 @!p0 $0x1BF5;
	p2 =	por !p2, p0  }
0x20: {  	[sflag:s8] =	ssyncset.s32 @!p0 $0xFFFFF086;
	s6 =	sadd.s32 @!p0 s3, s7;
	s7 =	simm.s32 @!p0 $0x108  }
0x21: {  	s3 =	sadd.s32 s3, s9;
	s6 =	sadd.s32 @!p0 $0x88, s6;
	s7 =	simm.s32 @p2 $0x1082  }
0x22: {  	[simem:s7], [sflag:s8] =	dma.local @!p0 [hbm:s6], $0xF7A  }
0x23: {  	s9 =	sor.u32 $0xD0000000, s2;
	s6 =	simm.s32 $0x108;
	_ =	swait.ge @!p0 [sflag:s8], $0x0  }
0x24: {  	s3 =	sadd.s32 $0x88, s3;
	s6 =	simm.s32 @!p1 $0x1082;
	[sflag:s4] =	ssyncset.s32 $0xFFFFF086  }
0x25: {  	[simem:s6], [sflag:s4] =	dma.local [hbm:s3], $0xF7A  }
0x26: {  	[smem:$0x3F9F] =	sst s1;
	(tag) =	ssettag s2;
	_ =	strace s9  }
0x27: {  	s1 =	sld [smem:$0x3FAF]  }
0x28: {  	s2 =	sld [smem:$0x3FB0]  }
0x29: {  	s4 =	sld [smem:$0x3FB2]  }
0x2a: {  	p0 =	seq.s32 s5, $0x0;
	s5 =	sld [smem:$0x3FB3]  }
0x2b: {  	s6 =	sld [smem:$0x3FB4]  }
0x2c: {  	s7 =	sld [smem:$0x3FB5]  }
0x2d: {  	s3 =	simm.s32 $0x108;
	s8 =	sld [smem:$0x3FB6]  }
0x2e: {  	s3 =	simm.s32 @!p0 $0x1082;
	s9 =	sld [smem:$0x3FB7]  }
0x2f: {  	lr =	sadd.s32 s0, s3;
	s0 =	sld [smem:$0x3FAE]  }
0x30: {  	s3 =	sld [smem:$0x3FB1]  }
0x31: {  	[smem:$0x3FBA] =	sst s10  }
0x32: {  	s10 =	sld [smem:$0x3FB8];
	_ =	sdelay $0x3  }
0x33: {  	p0 =	seq.s32 s10, $0x1;
	s10 =	sld [smem:$0x3FBA];
	_ =	sdelay $0x3  }
0x34: {  	[smem:$0x3FBA] =	sst s10  }
0x35: {  	s10 =	sld [smem:$0x3FB9];
	_ =	sdelay $0x3  }
0x36: {  	p1 =	seq.s32 s10, $0x1;
	s10 =	sld [smem:$0x3FBA];
	_ =	sdelay $0x3  }
0x37: {  	[smem:$0x3FBA] =	sst s10  }
0x38: {  	s10 =	sld [smem:$0x3FBB]  }
0x39: {  	_ = 	snop;
	(pc) =	sbr.ind lr, $3  }
0x3a: {  	_ = 	snop  }
0x3b: {  	_ = 	snop  }
0x3c: {  	p2 =	seq.s32 s10, $0x1;
	s10 =	sld [smem:$0x3FBA]  }
0x3d: {  	_ =	shalt  }
0x3e: {  	_ =	shalt  }
0x3f: {  	_ =	shalt  }
0x40: {  	_ =	shalt  }
0x41: {  	_ =	shalt  }
0x42: {  	_ =	shalt  }
0x43: {  	_ =	shalt  }
0x44: {  	_ =	shalt  }
0x45: {  	_ =	shalt  }
0x46: {  	_ =	shalt  }
0x47: {  	_ =	shalt  }
0x48: {  	_ =	shalt  }
0x49: {  	_ =	shalt  }
0x4a: {  	_ =	shalt  }
0x4b: {  	_ =	shalt  }
0x4c: {  	_ =	shalt  }
0x4d: {  	_ =	shalt  }
0x4e: {  	_ =	shalt  }
0x4f: {  	_ =	shalt  }
0x50: {  	_ =	shalt  }
0x51: {  	_ =	shalt  }
0x52: {  	_ =	shalt  }
0x53: {  	_ =	shalt  }
0x54: {  	_ =	shalt  }
0x55: {  	_ =	shalt  }
0x56: {  	_ =	shalt  }
0x57: {  	_ =	shalt  }
0x58: {  	_ =	shalt  }
0x59: {  	_ =	shalt  }
0x5a: {  	_ =	shalt  }
0x5b: {  	_ =	shalt  }
0x5c: {  	_ =	shalt  }
0x5d: {  	_ =	shalt  }
0x5e: {  	_ =	shalt  }
0x5f: {  	_ =	shalt  }
0x60: {  	_ =	shalt  }
0x61: {  	_ =	shalt  }
0x62: {  	_ =	shalt  }
0x63: {  	_ =	shalt  }
0x64: {  	_ =	shalt  }
0x65: {  	_ =	shalt  }
0x66: {  	_ =	shalt  }
0x67: {  	_ =	shalt  }
0x68: {  	_ =	shalt  }
0x69: {  	_ =	shalt  }
0x6a: {  	_ =	shalt  }
0x6b: {  	_ =	shalt  }
0x6c: {  	_ =	shalt  }
0x6d: {  	_ =	shalt  }
0x6e: {  	_ =	shalt  }
0x6f: {  	_ =	shalt  }
0x70: {  	_ =	shalt  }
0x71: {  	_ =	shalt  }
0x72: {  	_ =	shalt  }
0x73: {  	_ =	shalt  }
0x74: {  	_ =	shalt  }
0x75: {  	_ =	shalt  }
0x76: {  	_ =	shalt  }
0x77: {  	_ =	shalt  }
0x78: {  	_ =	shalt  }
0x79: {  	_ =	shalt  }
0x7a: {  	_ =	shalt  }
0x7b: {  	_ =	shalt  }
0x7c: {  	_ =	shalt  }
0x7d: {  	_ =	shalt  }
0x7e: {  	_ =	shalt  }
0x7f: {  	_ =	shalt  }
0x80: {  	_ =	shalt  }
0x81: {  	_ =	shalt  }
0x82: {  	_ =	shalt  }
0x83: {  	_ =	shalt  }
0x84: {  	_ =	shalt  }
0x85: {  	_ =	shalt  }
0x86: {  	_ =	shalt  }
0x87: {  	_ =	shalt  }
.Lfunc_end0:
.L_simem_size_0:
called_computation_lowered:
.L_overlay_start_0:
0x88: {  	s2 =	sld [smem:$0x3FD9]  }
0x89: {  	s3 =	sld [smem:$0x3FFE];
	_ =	sdelay $0x1  }
0x8a: {  	s1 =	srdreg.scid  }
0x8b: {  	s0 =	sand.u32 $0x1, s1  }
0x8c: {  	s17 =	sshll.u32 s0, $0xA;
	s2 =	sadd.s32 s3, s2  }
0x8d: {  	s2 =	sadd.s32 s2, s17  }
0x8e: {  	[smem:$0x3FC6] =	sst s2  }
0x8f: {  	_ = 	snop  }
0x90: {  	s2 =	sld [smem:$0x3FC9]  }
0x91: {  	s18 =	sld [smem:$0x3FC8];
	(tm) =	ssettm $0x1  }
0x92: {  	s4 =	sld [smem:$0x3FFB];
	_ =	sdelay $0x3  }
0x93: {  	_ =	strace s4  }
0x94: {  	s4 =	sld [smem:$0x3FFC];
	_ =	sdelay $0x3  }
0x95: {  	_ =	strace s4  }
0x96: {  	s4 =	sld [smem:$0x3FFD];
	_ =	sdelay $0x3  }
0x97: {  	_ =	strace s4  }
0x98: {  	_ =	strace $0x8FFFFFFF  }
0x99: {  	s19 =	sld [smem:$0x3FDB];
	_ =	sdelay $0x1  }
0x9a: {  	s5 =	simm.s32 $_scs_section_size  }
0x9b: {  	s6 =	simm.s32 $_size__tile_overlayer_lowered;
	s7 =	simm.s32 $_tile_overlayer_lowered  }
0x9c: {  	s22 =	simm.s32 $0x1BFF;
	s21 =	sshll.u32 s7, $0x1;
	s4 =	sadd.s32 s5, s19  }
0x9d: {  	s8 =	simm.s32 $0x0;
	s20 =	sshll.u32 s6, $0x1;
	s6 =	sadd.s32 s21, s4  }
0x9e: {  	[timem:s8], [sflag:s22] =	dma.local [hbm:s6], s20  }
0x9f: {  	_ =	swait.ge [sflag:s22], s20  }
0xa0: {  	s5 =	ssub.s32 $0x0, s20;
	[sflag:s22] =	ssyncset.done $0x0  }
0xa1: {  	[sflag:s22] =	ssyncadd.s32 s5;
	_ =	sdelay $0x1  }
0xa2: {  	s23 =	simm.s32 $0x1B8B  }
0xa3: {  	_ =	swait.ge [sflag:s23], $0x1  }
0xa4: {  	[sflag:s23] =	ssyncset.done $0x0  }
0xa5: {  	s25 =	simm.s32 $0x1B8E;
	s24 =	sld [smem:$0x3FFE];
	[sflag:s23] =	ssyncadd.s32 $0xFFFFFFFF  }
0xa6: {  	s26 =	simm.s32 $execute0_lowered;
	[smem:$0x3FD2] =	sst s25  }
0xa7: {  	s6 =	sshll.u32 s26, $0x1;
	_ =	strace $0x80000046;
	[dreg:$0x1] =	wrdreg $0xFFFFFFFF  }
0xa8: {  	s28 =	simm.s32 $_size_execute0_lowered;
	s4 =	sadd.s32 s4, s6;
	[dreg:$0x0] =	wrdreg $0x0  }
0xa9: {  	s6 =	sshll.u32 s28, $0x1;
	[dreg:$0x2] =	wrdreg s4  }
0xaa: {  	[dreg:$0x3] =	wrdreg s6  }
0xab: {  	[dreg:$0x4] =	wrdreg $0xC0  }
0xac: {  	_ =	task [dreg:s8], $0x5FFFF  }
0xad: {  	[dreg:$0x1] =	wrdreg $0xFFFFFFFF  }
0xae: {  	[dreg:$0x0] =	wrdreg $0x60  }
0xaf: {  	[dreg:$0x2] =	wrdreg s18  }
0xb0: {  	[dreg:$0x3] =	wrdreg s2  }
0xb1: {  	[dreg:$0x4] =	wrdreg s24  }
0xb2: {  	[dreg:$0x5] =	wrdreg $0x9  }
0xb3: {  	_ =	task.clear_ibuf [dreg:s8], $0x6FFFF;
	_ =	strace $0x90000046  }
0xb4: {  	s29 =	simm.s32 $0x9;
	_ =	strace $0x80000048  }
0xb5: {  	_ =	swait.ge [sflag:s29], $0x1  }
0xb6: {  	[sflag:s29] =	ssyncadd.s32 $0xFFFFFFFF  }
0xb7: {  	_ =	strace $0x90000048  }
0xb8: {  	_ =	sfence  }
0xb9: {  	s30 =	sld [smem:$0x0];
	_ =	sdelay $0x2  }
0xba: {  	s31 =	sshll.u32 s1, $0xD;
	s1 =	sshrl.u32 s1, $0x2  }
0xbb: {  	s3 =	sand.u32 $0x4000, s31;
	s1 =	sadd.s32 s1, s30  }
0xbc: {  	s0 =	sor.u32 s3, s0;
	s1 =	sshll.u32 s1, $0x11  }
0xbd: {  	s0 =	sor.u32 s1, s0  }
0xbe: {  	s0 =	sadd.s32 $0x8F2B, s0  }
0xbf: {  	[sflag:s0] =	ssyncadd.remote.s32 $0x1  }
0xc0: {  	_ =	sfence.sel $0xFFFF  }
0xc1: {  	[dreg:$0x0] =	wrdreg $0xFFFFFFFF;
	(pc) =	sbr.abs _section_cstart, $3  }
0xc2: {  	[dreg:$0x1] =	wrdreg $0xFFFFFFFF  }
0xc3: {  	_ =	task.clear_ibuf [dreg:s8], $0x2FFFF;
	_ =	strace $0x9FFFFFFF  }
0xc4: {  	(tm) =	ssettm $0x7FFFFFFF  }
0xc5: {  	_ =	shalt  }
tec
execute0_lowered:
.L_overlay_start_1:
0x0: {  	(tag) =	ssettag $0x1  }
0x1: {  	s3 =	rddreg [dreg:$0x0]  }
0x2: {  	s0 =	stileid.u32;
	s4 =	rddreg [dreg:$0x1]  }
0x3: {  	s1 =	srdreg.scid;
	s5 =	rddreg [dreg:$0x2]  }
0x4: {  	s16 =	simm.s32 $0x80;
	s17 =	simm.s32 $0x400;
	s18 =	simm.s32 $0x3  }
0x5: {  	s19 =	simm.s32 $0x10800;
	s20 =	simm.s32 $0x8400;
	s21 =	simm.s32 $0x1  }
0x6: {  	s22 =	simm.s32 $0x2;
	s23 =	simm.s32 $0x10400;
	s24 =	simm.s32 $0x10600  }
0x7: {  	s2 =	sshll.u32 s0, $0x1;
	s6 =	sand.u32 $0x1, s1;
	s7 =	sshrl.u32 s0, $0x2  }
0x8: {  	s1 =	rddreg [dreg:$0x3];
	s2 =	sand.u32 $0x6, s2;
	s10 =	sshll.u32 s7, $0xC  }
0x9: {  	s11 =	sshll.u32 s7, $0xA;
	s29 =	sshll.u32 s7, $0x9;
	s7 =	sshll.u32 s7, $0xF  }
0xa: {  	s8 =	sor.u32 s6, s2;
	s2 =	simm.s32 $0x0;
	s6 =	ssub.s32 $0x2, s6  }
0xb: {  	s3 =	sadd.s32 s29, s3;
	s9 =	sshll.u32 s8, $0x7;
	[smem:$0x7FF] =	sst s2  }
0xc: {  	s30 =	sshll.u32 s8, $0x4;
	s8 =	sshll.u32 s8, $0x11;
	s31 =	sshrl.u32 s6, $0x1  }
0xd: {  	s10 =	sor.u32 s10, s9;
	s9 =	sor.u32 s11, s9;
	_ =	strace $0x80000047  }
0xe: {  	s3 =	sadd.s32 s30, s3;
	s7 =	sor.u32 s7, s8;
	s15 =	ssub.s32 s6, s31  }
0xf: {  	s10 =	sshrl.u32 s10, $0x3;
	s9 =	sshrl.u32 s9, $0x3;
	s3 =	sadd.s32 $0x1800, s3  }
0x10: {  	s12 =	sadd.s32 s7, s4;
	s15 =	smax.u32 s15, $0x1;
	s14 =	sadd.s32 s10, s5  }
0x11: {  	s5 =	sadd.s32 s9, s5;
	s6 =	sadd.s32 $0x301000, s12;
	s7 =	sadd.s32 $0x302000, s12  }
0x12: {  	s8 =	sadd.s32 $0x303000, s12;
	s9 =	sadd.s32 $0x304000, s12;
	s10 =	sadd.s32 $0x305000, s12  }
0x13: {  	s11 =	sadd.s32 $0x306000, s12;
	s4 =	sadd.s32 $0x2600, s5;
	s5 =	sadd.s32 $0x300000, s12  }
0x14: {  	v0 =	vimm.f32 $0.0e+00;
	s12 =	sadd.s32 $0x307000, s12;
	s13 =	sadd.s32 $0x1600, s14;
	s14 =	sadd.s32 $0x1E00, s14  }
.LBB2_1:
0x15: {  	[tilespmem:s2], [sflag:$0x3] =	stream.strided.gather [hbm4b:s3+s16], $0x200, s17, s16, $0x38;
	[tilespmem:$0x10880] =	vst v63  }
0x16: {  	_ =	swait.ge [sflag:s18], $0x200  }
0x17: {  	[sflag:s18] =	ssyncset.done $0x0  }
0x18: {  	[sflag:s18] =	ssyncadd.s32 $0xFFFFFE00  }
0x19: {  	v1 =	vld [tilespmem:$0x0]  }
0x1a: {  	v2 =	vld [tilespmem:$0x10];
	_ =	sdelay $0x1  }
0x1b: {  	v3 =	vld [tilespmem:$0x20];
	_ =	sdelay $0x1  }
0x1c: {  	v4 =	vld [tilespmem:$0x30]  }
0x1d: {  	vm0 =	veq.s32 v1, $0x0;
	vm1 =	veq.s32 v2, $0x0  }
0x1e: {  	v5 =	vld [tilespmem:$0x40];
	v1 =	vsel vm0, $0x3F800000, v0;
	v2 =	vsel vm1, $0x3F800000, v0  }
0x1f: {  	vm10 =	veq.s32 v3, $0x0;
	v6 =	vadd.f32 v2, v1  }
0x20: {  	v7 =	vld [tilespmem:$0x50];
	v3 =	vsel vm10, $0x3F800000, v0  }
0x21: {  	vm11 =	veq.s32 v4, $0x0;
	v6 =	vadd.f32 v3, v6  }
0x22: {  	v8 =	vld [tilespmem:$0x60];
	v4 =	vsel vm11, $0x3F800000, v0  }
0x23: {  	vm12 =	veq.s32 v5, $0x0;
	v6 =	vadd.f32 v4, v6  }
0x24: {  	v9 =	vld [tilespmem:$0x70];
	v5 =	vsel vm12, $0x3F800000, v0  }
0x25: {  	vm13 =	veq.s32 v7, $0x0;
	v6 =	vadd.f32 v5, v6  }
0x26: {  	v10 =	vld [tilespmem:$0x80];
	v7 =	vsel vm13, $0x3F800000, v0  }
0x27: {  	vm14 =	veq.s32 v8, $0x0;
	v6 =	vadd.f32 v7, v6  }
0x28: {  	v11 =	vld [tilespmem:$0x90];
	v8 =	vsel vm14, $0x3F800000, v0  }
0x29: {  	vm15 =	veq.s32 v9, $0x0;
	v6 =	vadd.f32 v8, v6  }
0x2a: {  	v12 =	vld [tilespmem:$0xA0];
	v9 =	vsel vm15, $0x3F800000, v0  }
0x2b: {  	vm4 =	veq.s32 v10, $0x0;
	v6 =	vadd.f32 v9, v6  }
0x2c: {  	v13 =	vld [tilespmem:$0xB0];
	v10 =	vsel vm4, $0x3F800000, v0  }
0x2d: {  	vm5 =	veq.s32 v11, $0x0;
	v6 =	vadd.f32 v10, v6  }
0x2e: {  	v14 =	vld [tilespmem:$0xC0];
	v11 =	vsel vm5, $0x3F800000, v0  }
0x2f: {  	vm6 =	veq.s32 v12, $0x0;
	v6 =	vadd.f32 v11, v6  }
0x30: {  	v15 =	vld [tilespmem:$0xD0];
	v12 =	vsel vm6, $0x3F800000, v0  }
0x31: {  	vm7 =	veq.s32 v13, $0x0;
	v6 =	vadd.f32 v12, v6  }
0x32: {  	v16 =	vld [tilespmem:$0xE0];
	v13 =	vsel vm7, $0x3F800000, v0  }
0x33: {  	vm8 =	veq.s32 v14, $0x0;
	v6 =	vadd.f32 v13, v6  }
0x34: {  	v17 =	vld [tilespmem:$0xF0];
	v14 =	vsel vm8, $0x3F800000, v0  }
0x35: {  	vm9 =	veq.s32 v15, $0x0;
	v6 =	vadd.f32 v14, v6  }
0x36: {  	v18 =	vld [tilespmem:$0x100];
	v15 =	vsel vm9, $0x3F800000, v0  }
0x37: {  	vm10 =	veq.s32 v16, $0x0;
	v6 =	vadd.f32 v15, v6  }
0x38: {  	v19 =	vld [tilespmem:$0x110];
	v16 =	vsel vm10, $0x3F800000, v0  }
0x39: {  	vm11 =	veq.s32 v17, $0x0;
	v6 =	vadd.f32 v16, v6  }
0x3a: {  	v20 =	vld [tilespmem:$0x120];
	v17 =	vsel vm11, $0x3F800000, v0  }
0x3b: {  	vm12 =	veq.s32 v18, $0x0;
	v6 =	vadd.f32 v17, v6  }
0x3c: {  	v21 =	vld [tilespmem:$0x130];
	v18 =	vsel vm12, $0x3F800000, v0  }
0x3d: {  	vm13 =	veq.s32 v19, $0x0;
	[tilespmem:$0x200] =	vst v1;
	v1 =	vadd.f32 v18, v6  }
0x3e: {  	v49 =	vld [tilespmem:$0x140];
	[tilespmem:$0x210] =	vst v2;
	v2 =	vsel vm13, $0x3F800000, v0  }
0x3f: {  	vm14 =	veq.s32 v20, $0x0;
	[tilespmem:$0x220] =	vst v3;
	v1 =	vadd.f32 v2, v1  }
0x40: {  	v50 =	vld [tilespmem:$0x150];
	[tilespmem:$0x230] =	vst v4;
	v3 =	vsel vm14, $0x3F800000, v0  }
0x41: {  	vm15 =	veq.s32 v21, $0x0;
	[tilespmem:$0x240] =	vst v5;
	v1 =	vadd.f32 v3, v1  }
0x42: {  	v52 =	vld [tilespmem:$0x160];
	[tilespmem:$0x250] =	vst v7;
	v51 =	vsel vm15, $0x3F800000, v0  }
0x43: {  	vm4 =	veq.s32 v49, $0x0;
	[tilespmem:$0x260] =	vst v8;
	v1 =	vadd.f32 v51, v1  }
0x44: {  	v53 =	vld [tilespmem:$0x170];
	[tilespmem:$0x270] =	vst v9;
	v6 =	vsel vm4, $0x3F800000, v0  }
0x45: {  	vm5 =	veq.s32 v50, $0x0;
	[tilespmem:$0x280] =	vst v10;
	v1 =	vadd.f32 v6, v1  }
0x46: {  	v54 =	vld [tilespmem:$0x180];
	[tilespmem:$0x290] =	vst v11;
	v4 =	vsel vm5, $0x3F800000, v0  }
0x47: {  	vm6 =	veq.s32 v52, $0x0;
	[tilespmem:$0x2A0] =	vst v12;
	v1 =	vadd.f32 v4, v1  }
0x48: {  	v55 =	vld [tilespmem:$0x190];
	[tilespmem:$0x2B0] =	vst v13;
	v7 =	vsel vm6, $0x3F800000, v0  }
0x49: {  	v56 =	vld [tilespmem:$0x1A0];
	vm7 =	veq.s32 v53, $0x0;
	[tilespmem:$0x2C0] =	vst v14;
	v1 =	vadd.f32 v7, v1  }
0x4a: {  	v57 =	vld [tilespmem:$0x1B0];
	[tilespmem:$0x2D0] =	vst v15;
	v8 =	vsel vm7, $0x3F800000, v0  }
0x4b: {  	v58 =	vld [tilespmem:$0x1C0];
	vm8 =	veq.s32 v54, $0x0;
	[tilespmem:$0x2E0] =	vst v16;
	v1 =	vadd.f32 v8, v1  }
0x4c: {  	[tilespmem:$0x2F0] =	vst v17;
	v9 =	vsel vm8, $0x3F800000, v0  }
0x4d: {  	vm9 =	veq.s32 v55, $0x0;
	[tilespmem:$0x300] =	vst v18;
	v1 =	vadd.f32 v9, v1  }
0x4e: {  	[tilespmem:$0x310] =	vst v2;
	v2 =	vsel vm9, $0x3F800000, v0  }
0x4f: {  	vm10 =	veq.s32 v56, $0x0;
	vm11 =	veq.s32 v57, $0x0;
	[tilespmem:$0x330] =	vst v51;
	v1 =	vadd.f32 v2, v1  }
0x50: {  	v59 =	vld [tilespmem:$0x1D0];
	vm12 =	veq.s32 v58, $0x0;
	v60 =	vsel vm11, $0x3F800000, v0;
	[tilespmem:$0x320] =	vst v3;
	v3 =	vsel vm10, $0x3F800000, v0  }
0x51: {  	v62 =	vsel vm12, $0x3F800000, v0;
	[tilespmem:$0x3B0] =	vst v60;
	v1 =	vadd.f32 v3, v1  }
0x52: {  	v61 =	vld [tilespmem:$0x1E0];
	[tilespmem:$0x3C0] =	vst v62  }
0x53: {  	[tilespmem:$0x350] =	vst v4;
	v1 =	vadd.f32 v60, v1  }
0x54: {  	v63 =	vld [tilespmem:$0x1F0];
	[tilespmem:$0x360] =	vst v7  }
0x55: {  	vm13 =	veq.s32 v59, $0x0;
	[tilespmem:$0x370] =	vst v8;
	v1 =	vadd.f32 v62, v1  }
0x56: {  	[tilespmem:$0x390] =	vst v2;
	v2 =	vsel vm13, $0x3F800000, v0  }
0x57: {  	vm14 =	veq.s32 v61, $0x0;
	[tilespmem:$0x380] =	vst v9;
	v1 =	vadd.f32 v2, v1  }
0x58: {  	[tilespmem:$0x3A0] =	vst v3;
	v3 =	vsel vm14, $0x3F800000, v0  }
0x59: {  	vm15 =	veq.s32 v63, $0x0;
	[tilespmem:$0x340] =	vst v6;
	v1 =	vadd.f32 v3, v1  }
0x5a: {  	[tilespmem:$0x3D0] =	vst v2;
	v2 =	vsel vm15, $0x3F800000, v0  }
0x5b: {  	[tilespmem:$0x3E0] =	vst v3;
	v1 =	vadd.f32 v2, v1  }
0x5c: {  	[tilespmem:$0x3F0] =	vst v2  }
0x5d: {  	[tilespmem:$0x10800] =	vst v1  }
0x5e: {  	[hbm4b:s4+s2] =	stream.linear.scatter [tilespmem:s19], [sflag:$0x3], $0x80, $0x38;
	[tilespmem:$0x10880] =	vst v63  }
0x5f: {  	_ =	swait.ge [sflag:s18], $0x80  }
0x60: {  	[sflag:s18] =	ssyncset.done $0x0  }
0x61: {  	[sflag:s18] =	ssyncadd.s32 $0xFFFFFF80  }
0x62: {  	[tilespmem:s17], [sflag:$0x1] =	stream.linear.gather [hbm4b:s5+s2], $0x8000, $0x38;
	[tilespmem:$0x10880] =	vst v63  }
0x63: {  	_ = 	snop  }
0x64: {  	[tilespmem:s20], [sflag:$0x2] =	stream.linear.gather [hbm4b:s6+s2], $0x8000, $0x38;
	[tilespmem:$0x10880] =	vst v63  }
0x65: {  	_ =	swait.ge [sflag:s21], $0x8000  }
0x66: {  	[sflag:s21] =	ssyncset.done $0x0  }
0x67: {  	[sflag:s21] =	ssyncadd.s32 $0xFFFF8000  }
0x68: {  	[tilespmem:s17], [sflag:$0x1] =	stream.linear.gather [hbm4b:s7+s2], $0x8000, $0x38;
	[tilespmem:$0x10880] =	vst v63  }
0x69: {  	_ =	swait.ge [sflag:s22], $0x8000  }
0x6a: {  	[sflag:s22] =	ssyncset.done $0x0  }
0x6b: {  	[sflag:s22] =	ssyncadd.s32 $0xFFFF8000  }
0x6c: {  	[tilespmem:s20], [sflag:$0x2] =	stream.linear.gather [hbm4b:s8+s2], $0x8000, $0x38;
	[tilespmem:$0x10880] =	vst v63  }
0x6d: {  	_ =	swait.ge [sflag:s21], $0x8000  }
0x6e: {  	[sflag:s21] =	ssyncset.done $0x0  }
0x6f: {  	[sflag:s21] =	ssyncadd.s32 $0xFFFF8000  }
0x70: {  	[tilespmem:s17], [sflag:$0x1] =	stream.linear.gather [hbm4b:s9+s2], $0x8000, $0x38;
	[tilespmem:$0x10880] =	vst v63  }
0x71: {  	_ =	swait.ge [sflag:s22], $0x8000  }
0x72: {  	[sflag:s22] =	ssyncset.done $0x0  }
0x73: {  	[sflag:s22] =	ssyncadd.s32 $0xFFFF8000  }
0x74: {  	[tilespmem:s20], [sflag:$0x2] =	stream.linear.gather [hbm4b:s10+s2], $0x8000, $0x38;
	[tilespmem:$0x10880] =	vst v63  }
0x75: {  	_ =	swait.ge [sflag:s21], $0x8000  }
0x76: {  	[sflag:s21] =	ssyncset.done $0x0  }
0x77: {  	[sflag:s21] =	ssyncadd.s32 $0xFFFF8000  }
0x78: {  	[tilespmem:s17], [sflag:$0x1] =	stream.linear.gather [hbm4b:s11+s2], $0x8000, $0x38;
	[tilespmem:$0x10880] =	vst v63  }
0x79: {  	_ =	swait.ge [sflag:s22], $0x8000  }
0x7a: {  	[sflag:s22] =	ssyncset.done $0x0  }
0x7b: {  	[sflag:s22] =	ssyncadd.s32 $0xFFFF8000  }
0x7c: {  	[tilespmem:s20], [sflag:$0x2] =	stream.linear.gather [hbm4b:s12+s2], $0x8000, $0x38;
	[tilespmem:$0x10880] =	vst v63  }
0x7d: {  	_ =	swait.ge [sflag:s21], $0x8000  }
0x7e: {  	[sflag:s21] =	ssyncset.done $0x0  }
0x7f: {  	[sflag:s21] =	ssyncadd.s32 $0xFFFF8000  }
0x80: {  	_ =	swait.ge [sflag:s22], $0x8000  }
0x81: {  	[sflag:s22] =	ssyncset.done $0x0  }
0x82: {  	[sflag:s22] =	ssyncadd.s32 $0xFFFF8000  }
0x83: {  	[tilespmem:$0x10400] =	vst v0  }
0x84: {  	[tilespmem:$0x10600] =	vst v0  }
0x85: {  	[tilespmem:$0x10410] =	vst v0  }
0x86: {  	[tilespmem:$0x10610] =	vst v0  }
0x87: {  	[tilespmem:$0x10420] =	vst v0  }
0x88: {  	[tilespmem:$0x10620] =	vst v0  }
0x89: {  	[tilespmem:$0x10430] =	vst v0  }
0x8a: {  	[tilespmem:$0x10630] =	vst v0  }
0x8b: {  	[tilespmem:$0x10440] =	vst v0  }
0x8c: {  	[tilespmem:$0x10640] =	vst v0  }
0x8d: {  	[tilespmem:$0x10450] =	vst v0  }
0x8e: {  	[tilespmem:$0x10650] =	vst v0  }
0x8f: {  	[tilespmem:$0x10460] =	vst v0  }
0x90: {  	[tilespmem:$0x10660] =	vst v0  }
0x91: {  	[tilespmem:$0x10470] =	vst v0  }
0x92: {  	[tilespmem:$0x10670] =	vst v0  }
0x93: {  	[tilespmem:$0x10480] =	vst v0  }
0x94: {  	[tilespmem:$0x10680] =	vst v0  }
0x95: {  	[tilespmem:$0x10490] =	vst v0  }
0x96: {  	[tilespmem:$0x10690] =	vst v0  }
0x97: {  	[tilespmem:$0x104A0] =	vst v0  }
0x98: {  	[tilespmem:$0x106A0] =	vst v0  }
0x99: {  	[tilespmem:$0x104B0] =	vst v0  }
0x9a: {  	[tilespmem:$0x106B0] =	vst v0  }
0x9b: {  	[tilespmem:$0x104C0] =	vst v0  }
0x9c: {  	[tilespmem:$0x106C0] =	vst v0  }
0x9d: {  	[tilespmem:$0x104D0] =	vst v0  }
0x9e: {  	[tilespmem:$0x106D0] =	vst v0  }
0x9f: {  	[tilespmem:$0x104E0] =	vst v0  }
0xa0: {  	[tilespmem:$0x106E0] =	vst v0  }
0xa1: {  	[tilespmem:$0x104F0] =	vst v0  }
0xa2: {  	[tilespmem:$0x106F0] =	vst v0  }
0xa3: {  	[tilespmem:$0x10500] =	vst v0  }
0xa4: {  	[tilespmem:$0x10700] =	vst v0  }
0xa5: {  	[tilespmem:$0x10510] =	vst v0  }
0xa6: {  	[tilespmem:$0x10710] =	vst v0  }
0xa7: {  	[tilespmem:$0x10520] =	vst v0  }
0xa8: {  	[tilespmem:$0x10720] =	vst v0  }
0xa9: {  	[tilespmem:$0x10530] =	vst v0  }
0xaa: {  	[tilespmem:$0x10730] =	vst v0  }
0xab: {  	[tilespmem:$0x10540] =	vst v0  }
0xac: {  	[tilespmem:$0x10740] =	vst v0  }
0xad: {  	[tilespmem:$0x10550] =	vst v0  }
0xae: {  	[tilespmem:$0x10750] =	vst v0  }
0xaf: {  	[tilespmem:$0x10560] =	vst v0  }
0xb0: {  	[tilespmem:$0x10760] =	vst v0  }
0xb1: {  	[tilespmem:$0x10570] =	vst v0  }
0xb2: {  	[tilespmem:$0x10770] =	vst v0  }
0xb3: {  	[tilespmem:$0x10580] =	vst v0  }
0xb4: {  	[tilespmem:$0x10780] =	vst v0  }
0xb5: {  	[tilespmem:$0x10590] =	vst v0  }
0xb6: {  	[tilespmem:$0x10790] =	vst v0  }
0xb7: {  	[tilespmem:$0x105A0] =	vst v0  }
0xb8: {  	[tilespmem:$0x107A0] =	vst v0  }
0xb9: {  	[tilespmem:$0x105B0] =	vst v0  }
0xba: {  	[tilespmem:$0x107B0] =	vst v0  }
0xbb: {  	[tilespmem:$0x105C0] =	vst v0  }
0xbc: {  	[tilespmem:$0x107C0] =	vst v0  }
0xbd: {  	[tilespmem:$0x105D0] =	vst v0  }
0xbe: {  	[tilespmem:$0x107D0] =	vst v0  }
0xbf: {  	[tilespmem:$0x105E0] =	vst v0  }
0xc0: {  	[tilespmem:$0x107E0] =	vst v0  }
0xc1: {  	[tilespmem:$0x105F0] =	vst v0  }
0xc2: {  	[tilespmem:$0x107F0] =	vst v0  }
0xc3: {  	[hbm4b:s13+s16] =	stream.strided.scatter [tilespmem:s23], [sflag:$0x3], $0x200, s17, s16, $0x38;
	[tilespmem:$0x10880] =	vst v63  }
0xc4: {  	_ =	swait.ge [sflag:s18], $0x200  }
0xc5: {  	p0 =	sne.s32 s15, $0x1;
	[sflag:s18] =	ssyncset.done $0x0  }
.Ltmp0:
0xc6: {  	[sflag:s18] =	ssyncadd.s32 $0xFFFFFE00;
	(pc) =	sbr.rel @p0 .LBB2_1-.Ltmp0, $4  }
0xc7: {  	[hbm4b:s14+s16] =	stream.strided.scatter [tilespmem:s24], [sflag:$0x3], $0x200, s17, s16, $0x38;
	[tilespmem:$0x10880] =	vst v63  }
0xc8: {  	_ =	swait.ge [sflag:s18], $0x200  }
0xc9: {  	[sflag:s18] =	ssyncset.done $0x0  }
0xca: {  	s15 =	sadd.s32 $0xFFFFFFFF, s15;
	[sflag:s18] =	ssyncadd.s32 $0xFFFFFE00  }
0xcb: {  	_ =	sfence.sel $0x180000  }
0xcc: {  	[bflag:$0x0] =	sbarrier.arrive $0xFFFF  }
0xcd: {  	p0 =	sne.s32 s0, $0x0;
	_ =	strace $0x90000047  }
0xce: {  	s0 =	sadd.s32 @!p0 $0x100000, s1;
	[bflag:$0x2] =	sbarrier.arrive $0xFFFF  }
0xcf: {  	[sflag:s0] =	ssyncadd.tile.s32 @!p0 $0x1;
	_ =	shalt  }
.Lfunc_end2:
_tile_overlayer_lowered:
.L_overlay_start_2:
0xd0: {  	(tag) =	ssettag $0x2  }
0xd1: {  	s0 =	rddreg [dreg:$0x0];
	s2 =	stileid.u32  }
0xd2: {  	s1 =	rddreg [dreg:$0x1];
	p0 =	sne.s32 s2, $0x0  }
0xd3: {  	s3 =	rddreg [dreg:$0x2];
	[bflag:$0x3] =	sbarrier.arrive $0xFFFF;
	s2 =	simm.s32 @!p0 $0x1C03  }
0xd4: {  	[timem:s3], [sflag:s2] =	dma.local @!p0 [hbm:s0], s1  }
0xd5: {  	s0 =	simm.s32 @!p0 $0x3  }
0xd6: {  	_ =	swait.ge @!p0 [sflag:s0], s1  }
0xd7: {  	s1 =	ssub.s32 @!p0 $0x0, s1;
	[sflag:s0] =	ssyncset.done @!p0 $0x0  }
0xd8: {  	[sflag:s0] =	ssyncadd.s32 @!p0 s1  }
0xd9: {  	[bflag:$0x3] =	sbarrier.arrive $0xFFFF  }
0xda: {  	_ =	shalt  }

</sc_bundles>
